<compile_context>
chip_gen: v7x
topology: tpu7x:2x2x1
jax: 0.10.2.dev20260603
libtpu: 0.0.44.dev20260713+nightly
codegen_flags: <defaults>
</compile_context>

<pallas_src>
import functools

import jax
import jax.numpy as jnp
import numpy as np
from jax import lax
from jax.experimental import pallas as pl
from jax.experimental.pallas import tpu as pltpu
from jax.experimental.pallas import tpu_sc as plsc

VOCAB = 100000
DIM = 128
BATCH = 4096
SEQ = 50
HID = 128
ALTS = 64

NC = 2
NS = 16
NW = NC * NS
BPW = BATCH // NW
IPW = BPW * SEQ
CHUNK = 128
NCHUNK = IPW // CHUNK
NBUF = 5


def _sc_pool_sum(x_resh, dest_all, table):
    mesh = plsc.VectorSubcoreMesh(core_axis_name="c", subcore_axis_name="s")

    @functools.partial(
        pl.kernel,
        out_type=jax.ShapeDtypeStruct((BATCH, DIM), jnp.float32),
        mesh=mesh,
        scratch_types=[
            pltpu.VMEM((NCHUNK, CHUNK), jnp.int32),
            pltpu.VMEM((1, CHUNK), jnp.int32),
            *[pltpu.VMEM((CHUNK, DIM), jnp.float32) for _ in range(NBUF)],
            pltpu.VMEM_SHARED((NS * BPW, DIM), jnp.float32),
            *[pltpu.SemaphoreType.DMA for _ in range(NBUF)],
        ],
    )
    def k(x_hbm, dest_hbm, table_hbm, out_hbm, idx_v, dest_v, *rest):
        rows = rest[:NBUF]
        acc_sh = rest[NBUF]
        sems = rest[NBUF + 1:]
        c = lax.axis_index("c")
        s = lax.axis_index("s")
        w = c * NS + s
        pltpu.sync_copy(x_hbm.at[w], idx_v)
        pltpu.sync_copy(dest_hbm.at[s], dest_v)

        for b in range(NBUF):
            pltpu.async_copy(table_hbm.at[idx_v.at[b]], rows[b], sems[b])

        def body(i, carry):
            for b in range(NBUF):
                g = NBUF * i + b
                pltpu.make_async_copy(table_hbm.at[idx_v.at[g]], rows[b], sems[b]).wait()

                @pl.when(g == 0)
                def _():
                    pltpu.sync_copy(rows[b], acc_sh.at[dest_v.at[0]], add=False)

                @pl.when(g > 0)
                def _():
                    pltpu.sync_copy(rows[b], acc_sh.at[dest_v.at[0]], add=True)

                @pl.when(g + NBUF < NCHUNK)
                def _():
                    pltpu.async_copy(table_hbm.at[idx_v.at[g + NBUF]], rows[b], sems[b])
            return carry

        lax.fori_loop(0, NCHUNK // NBUF, body, 0)
        pltpu.sync_copy(acc_sh.at[pl.ds(s * BPW, BPW)],
                        out_hbm.at[pl.ds(w * BPW, BPW)])

    return k(x_resh, dest_all, table)


def _tc_mlp(pooled, W1, b1, W2, b2, W3, b3):

    def body(p_ref, w1_ref, b1_ref, w2_ref, b2_ref, w3_ref, b3_ref, o_ref):
        h = p_ref[...] * np.float32(1.0 / SEQ)
        h = jnp.maximum(
            jnp.dot(h, w1_ref[...], preferred_element_type=jnp.float32) + b1_ref[...], 0.0)
        h = jnp.maximum(
            jnp.dot(h, w2_ref[...], preferred_element_type=jnp.float32) + b2_ref[...], 0.0)
        h = jnp.maximum(
            jnp.dot(h, w2_ref[...], preferred_element_type=jnp.float32) + b2_ref[...], 0.0)
        o_ref[...] = (
            jnp.dot(h, w3_ref[...], preferred_element_type=jnp.float32) + b3_ref[...])

    mb = 4096
    return pl.pallas_call(
        body,
        grid=(BATCH // mb,),
        in_specs=[
            pl.BlockSpec((mb, DIM), lambda i: (i, 0)),
            pl.BlockSpec((DIM, HID), lambda i: (0, 0)),
            pl.BlockSpec((1, HID), lambda i: (0, 0)),
            pl.BlockSpec((HID, HID), lambda i: (0, 0)),
            pl.BlockSpec((1, HID), lambda i: (0, 0)),
            pl.BlockSpec((HID, ALTS), lambda i: (0, 0)),
            pl.BlockSpec((1, ALTS), lambda i: (0, 0)),
        ],
        out_specs=pl.BlockSpec((mb, ALTS), lambda i: (i, 0)),
        out_shape=jax.ShapeDtypeStruct((BATCH, ALTS), jnp.float32),
    )(pooled, W1, b1.reshape(1, HID), W2, b2.reshape(1, HID), W3, b3.reshape(1, ALTS))


def kernel(x, table, W1, b1, W2, b2, W3, b3):
    x_resh = x.astype(jnp.int32).reshape(NW, BPW, SEQ).transpose(0, 2, 1)
    dest_all = (np.arange(NS, dtype=np.int32)[:, None] * BPW
                + np.arange(BPW, dtype=np.int32)[None, :]).reshape(NS, 1, CHUNK)
    dest_all = jnp.asarray(dest_all)
    pooled = _sc_pool_sum(x_resh, dest_all, table)
    return _tc_mlp(pooled, W1, b1, W2, b2, W3, b3)

# --- scband reference (transcript-rebuilt; emitter-appended) ---
"""Pipeline reference for scband-wec-25091198943916 (READ-ONLY COPY).

The authoritative reference and input builder live on the scoring server;
editing this copy changes nothing except your own understanding.
"""

import jax, jax.numpy as jnp
import numpy as np

VOCAB = 100000
DIM = 128
BATCH = 4096
SEQ = 50
HID = 128
ALTS = 64

def setup_inputs(seed: int = 0) -> dict:
    key = jax.random.key(seed)
    ks = jax.random.split(key, 9)
    x = jax.random.randint(ks[0], (BATCH, SEQ), 0, VOCAB, dtype=jnp.int64 if jax.config.jax_enable_x64 else jnp.int32)
    table = jax.random.normal(ks[1], (VOCAB, DIM), dtype=jnp.float32) * 0.02
    W1 = jax.random.normal(ks[2], (DIM, HID), dtype=jnp.float32) * (1.0 / np.sqrt(DIM))
    b1 = jnp.zeros((HID,), dtype=jnp.float32)
    W2 = jax.random.normal(ks[3], (HID, HID), dtype=jnp.float32) * (1.0 / np.sqrt(HID))
    b2 = jnp.zeros((HID,), dtype=jnp.float32)
    W3 = jax.random.normal(ks[4], (HID, ALTS), dtype=jnp.float32) * (1.0 / np.sqrt(HID))
    b3 = jnp.zeros((ALTS,), dtype=jnp.float32)
    return {"x": x, "table": table, "W1": W1, "b1": b1, "W2": W2, "b2": b2, "W3": W3, "b3": b3}

def reference(x, table, W1, b1, W2, b2, W3, b3):
    # embedding lookup: [B, S, D]
    emb = jnp.take(table, x, axis=0)
    # mean over words
    h = emb.mean(axis=1)
    # MLP (note: linear_hidden2 is applied twice with the SAME weights, matching the torch code)
    h = jax.nn.relu(h @ W1 + b1)
    h = jax.nn.relu(h @ W2 + b2)
    h = jax.nn.relu(h @ W2 + b2)
    out = h @ W3 + b3
    return out

if __name__ == "__main__":
    import jax
    _d = setup_inputs()
    print(jax.jit(kernel)(*tuple(_d.values())))

</pallas_src>

<mosaic_0001>
#map = affine_map<(d0, d1) -> (0, 0, 0)>
#map1 = affine_map<(d0, d1) -> (0, 0)>
module attributes {stable_mosaic.version = 14 : i64} {
  func.func @k(%arg0: i32, %arg1: i32, %arg2: memref<32x50x128xi32, #tpu.memory_space<hbm>>, %arg3: memref<16x1x128xi32, #tpu.memory_space<hbm>>, %arg4: memref<100000x128xf32, #tpu.memory_space<hbm>>, %arg5: memref<4096x128xf32, #tpu.memory_space<hbm>>, %arg6: memref<50x128xi32, #tpu.memory_space<vmem>>, %arg7: memref<1x128xi32, #tpu.memory_space<vmem>>, %arg8: memref<128x128xf32, #tpu.memory_space<vmem>>, %arg9: memref<128x128xf32, #tpu.memory_space<vmem>>, %arg10: memref<128x128xf32, #tpu.memory_space<vmem>>, %arg11: memref<128x128xf32, #tpu.memory_space<vmem>>, %arg12: memref<128x128xf32, #tpu.memory_space<vmem>>, %arg13: memref<2048x128xf32, #tpu.memory_space<vmem_shared>>, %arg14: memref<!tpu.dma_semaphore, #tpu.memory_space<semaphore_mem>>, %arg15: memref<!tpu.dma_semaphore, #tpu.memory_space<semaphore_mem>>, %arg16: memref<!tpu.dma_semaphore, #tpu.memory_space<semaphore_mem>>, %arg17: memref<!tpu.dma_semaphore, #tpu.memory_space<semaphore_mem>>, %arg18: memref<!tpu.dma_semaphore, #tpu.memory_space<semaphore_mem>>) attributes {dimension_semantics = [#tpu.dimension_semantics<core_parallel>, #tpu.dimension_semantics<subcore_parallel>], iteration_bounds = array<i64: 2, 16>, scalar_prefetch = 0 : i64, scratch_operands = 13 : i64, tpu.core_type = #tpu.core_type<sc_vector_subcore>, window_params = [{transform_indices = #map}, {transform_indices = #map}, {transform_indices = #map1}, {transform_indices = #map1}]} {
    %mul3A = arith.constant 16 : i32
    %mul3A_0 = arith.muli %arg0, %mul3A : i32
    %add3A = arith.addi %mul3A_0, %arg1 : i32
    "tpu.region"() ({
      %run_scoped3A = tpu.sem_alloc : memref<!tpu.dma_semaphore, #tpu.memory_space<semaphore_mem>>
      %dma_start3A_44 = arith.constant 0 : i32
      %dma_start3A_45 = arith.constant 0 : i32
      %dma_start3A_46 = tpu.memref_slice %arg2[%add3A, %dma_start3A_44, %dma_start3A_45] : memref<32x50x128xi32, #tpu.memory_space<hbm>> -> memref<1x50x128xi32, #tpu.memory_space<hbm>>
      %dma_start3A_47 = tpu.memref_squeeze %dma_start3A_46 : memref<1x50x128xi32, #tpu.memory_space<hbm>> -> memref<50x128xi32, #tpu.memory_space<hbm>>
      %dma_start3A_48 = arith.constant 0 : i32
      %dma_start3A_49 = arith.constant 0 : i32
      %dma_start3A_50 = tpu.memref_slice %arg2[%add3A, %dma_start3A_48, %dma_start3A_49] : memref<32x50x128xi32, #tpu.memory_space<hbm>> -> memref<1x50x128xi32, #tpu.memory_space<hbm>>
      %dma_start3A_51 = tpu.memref_squeeze %dma_start3A_50 : memref<1x50x128xi32, #tpu.memory_space<hbm>> -> memref<50x128xi32, #tpu.memory_space<hbm>>
      tpu.enqueue_dma source(%dma_start3A_51 : memref<50x128xi32, #tpu.memory_space<hbm>>) target(%arg6 : memref<50x128xi32, #tpu.memory_space<vmem>>) target_semaphore(%run_scoped3A : memref<!tpu.dma_semaphore, #tpu.memory_space<semaphore_mem>>)
      %dma_wait3A = arith.constant 0 : i32
      %dma_wait3A_52 = arith.constant 0 : i32
      %dma_wait3A_53 = tpu.memref_slice %arg2[%add3A, %dma_wait3A, %dma_wait3A_52] : memref<32x50x128xi32, #tpu.memory_space<hbm>> -> memref<1x50x128xi32, #tpu.memory_space<hbm>>
      %dma_wait3A_54 = tpu.memref_squeeze %dma_wait3A_53 : memref<1x50x128xi32, #tpu.memory_space<hbm>> -> memref<50x128xi32, #tpu.memory_space<hbm>>
      %dma_wait3A_55 = arith.constant 0 : i32
      %dma_wait3A_56 = arith.constant 0 : i32
      %dma_wait3A_57 = tpu.memref_slice %arg2[%add3A, %dma_wait3A_55, %dma_wait3A_56] : memref<32x50x128xi32, #tpu.memory_space<hbm>> -> memref<1x50x128xi32, #tpu.memory_space<hbm>>
      %dma_wait3A_58 = tpu.memref_squeeze %dma_wait3A_57 : memref<1x50x128xi32, #tpu.memory_space<hbm>> -> memref<50x128xi32, #tpu.memory_space<hbm>>
      tpu.wait_dma2 semaphore(%run_scoped3A : memref<!tpu.dma_semaphore, #tpu.memory_space<semaphore_mem>>) src(%dma_wait3A_58 : memref<50x128xi32, #tpu.memory_space<hbm>>) dst(%arg6 : memref<50x128xi32, #tpu.memory_space<vmem>>)
      tpu.yield
    }) : () -> ()
    "tpu.region"() ({
      %run_scoped3A = tpu.sem_alloc : memref<!tpu.dma_semaphore, #tpu.memory_space<semaphore_mem>>
      %dma_start3A_44 = arith.constant 0 : i32
      %dma_start3A_45 = arith.constant 0 : i32
      %dma_start3A_46 = tpu.memref_slice %arg3[%arg1, %dma_start3A_44, %dma_start3A_45] : memref<16x1x128xi32, #tpu.memory_space<hbm>> -> memref<1x1x128xi32, #tpu.memory_space<hbm>>
      %dma_start3A_47 = tpu.memref_squeeze %dma_start3A_46 : memref<1x1x128xi32, #tpu.memory_space<hbm>> -> memref<1x128xi32, #tpu.memory_space<hbm>>
      %dma_start3A_48 = arith.constant 0 : i32
      %dma_start3A_49 = arith.constant 0 : i32
      %dma_start3A_50 = tpu.memref_slice %arg3[%arg1, %dma_start3A_48, %dma_start3A_49] : memref<16x1x128xi32, #tpu.memory_space<hbm>> -> memref<1x1x128xi32, #tpu.memory_space<hbm>>
      %dma_start3A_51 = tpu.memref_squeeze %dma_start3A_50 : memref<1x1x128xi32, #tpu.memory_space<hbm>> -> memref<1x128xi32, #tpu.memory_space<hbm>>
      tpu.enqueue_dma source(%dma_start3A_51 : memref<1x128xi32, #tpu.memory_space<hbm>>) target(%arg7 : memref<1x128xi32, #tpu.memory_space<vmem>>) target_semaphore(%run_scoped3A : memref<!tpu.dma_semaphore, #tpu.memory_space<semaphore_mem>>)
      %dma_wait3A = arith.constant 0 : i32
      %dma_wait3A_52 = arith.constant 0 : i32
      %dma_wait3A_53 = tpu.memref_slice %arg3[%arg1, %dma_wait3A, %dma_wait3A_52] : memref<16x1x128xi32, #tpu.memory_space<hbm>> -> memref<1x1x128xi32, #tpu.memory_space<hbm>>
      %dma_wait3A_54 = tpu.memref_squeeze %dma_wait3A_53 : memref<1x1x128xi32, #tpu.memory_space<hbm>> -> memref<1x128xi32, #tpu.memory_space<hbm>>
      %dma_wait3A_55 = arith.constant 0 : i32
      %dma_wait3A_56 = arith.constant 0 : i32
      %dma_wait3A_57 = tpu.memref_slice %arg3[%arg1, %dma_wait3A_55, %dma_wait3A_56] : memref<16x1x128xi32, #tpu.memory_space<hbm>> -> memref<1x1x128xi32, #tpu.memory_space<hbm>>
      %dma_wait3A_58 = tpu.memref_squeeze %dma_wait3A_57 : memref<1x1x128xi32, #tpu.memory_space<hbm>> -> memref<1x128xi32, #tpu.memory_space<hbm>>
      tpu.wait_dma2 semaphore(%run_scoped3A : memref<!tpu.dma_semaphore, #tpu.memory_space<semaphore_mem>>) src(%dma_wait3A_58 : memref<1x128xi32, #tpu.memory_space<hbm>>) dst(%arg7 : memref<1x128xi32, #tpu.memory_space<vmem>>)
      tpu.yield
    }) : () -> ()
    %dma_start3A = arith.constant 0 : i32
    %dma_start3A_1 = arith.constant 0 : i32
    %dma_start3A_2 = tpu.memref_slice %arg6[%dma_start3A, %dma_start3A_1] : memref<50x128xi32, #tpu.memory_space<vmem>> -> memref<1x128xi32, #tpu.memory_space<vmem>>
    %dma_start3A_3 = tpu.memref_squeeze %dma_start3A_2 : memref<1x128xi32, #tpu.memory_space<vmem>> -> memref<128xi32, #tpu.memory_space<vmem>>
    %dma_start3A_4 = arith.constant 0 : i32
    %dma_start3A_5 = arith.constant 0 : i32
    %dma_start3A_6 = tpu.memref_slice %arg4[%dma_start3A_4, %dma_start3A_5] : memref<100000x128xf32, #tpu.memory_space<hbm>> -> memref<100000x128xf32, #tpu.memory_space<hbm>>
    tpu.enqueue_indirect_dma source(%dma_start3A_6 : memref<100000x128xf32, #tpu.memory_space<hbm>>) target(%arg8 : memref<128x128xf32, #tpu.memory_space<vmem>>) offsets(%dma_start3A_3 : memref<128xi32, #tpu.memory_space<vmem>>) semaphore(%arg14 : memref<!tpu.dma_semaphore, #tpu.memory_space<semaphore_mem>>)
    %dma_start3A_7 = arith.constant 1 : i32
    %dma_start3A_8 = arith.constant 0 : i32
    %dma_start3A_9 = tpu.memref_slice %arg6[%dma_start3A_7, %dma_start3A_8] : memref<50x128xi32, #tpu.memory_space<vmem>> -> memref<1x128xi32, #tpu.memory_space<vmem>>
    %dma_start3A_10 = tpu.memref_squeeze %dma_start3A_9 : memref<1x128xi32, #tpu.memory_space<vmem>> -> memref<128xi32, #tpu.memory_space<vmem>>
    %dma_start3A_11 = arith.constant 0 : i32
    %dma_start3A_12 = arith.constant 0 : i32
    %dma_start3A_13 = tpu.memref_slice %arg4[%dma_start3A_11, %dma_start3A_12] : memref<100000x128xf32, #tpu.memory_space<hbm>> -> memref<100000x128xf32, #tpu.memory_space<hbm>>
    tpu.enqueue_indirect_dma source(%dma_start3A_13 : memref<100000x128xf32, #tpu.memory_space<hbm>>) target(%arg9 : memref<128x128xf32, #tpu.memory_space<vmem>>) offsets(%dma_start3A_10 : memref<128xi32, #tpu.memory_space<vmem>>) semaphore(%arg15 : memref<!tpu.dma_semaphore, #tpu.memory_space<semaphore_mem>>)
    %dma_start3A_14 = arith.constant 2 : i32
    %dma_start3A_15 = arith.constant 0 : i32
    %dma_start3A_16 = tpu.memref_slice %arg6[%dma_start3A_14, %dma_start3A_15] : memref<50x128xi32, #tpu.memory_space<vmem>> -> memref<1x128xi32, #tpu.memory_space<vmem>>
    %dma_start3A_17 = tpu.memref_squeeze %dma_start3A_16 : memref<1x128xi32, #tpu.memory_space<vmem>> -> memref<128xi32, #tpu.memory_space<vmem>>
    %dma_start3A_18 = arith.constant 0 : i32
    %dma_start3A_19 = arith.constant 0 : i32
    %dma_start3A_20 = tpu.memref_slice %arg4[%dma_start3A_18, %dma_start3A_19] : memref<100000x128xf32, #tpu.memory_space<hbm>> -> memref<100000x128xf32, #tpu.memory_space<hbm>>
    tpu.enqueue_indirect_dma source(%dma_start3A_20 : memref<100000x128xf32, #tpu.memory_space<hbm>>) target(%arg10 : memref<128x128xf32, #tpu.memory_space<vmem>>) offsets(%dma_start3A_17 : memref<128xi32, #tpu.memory_space<vmem>>) semaphore(%arg16 : memref<!tpu.dma_semaphore, #tpu.memory_space<semaphore_mem>>)
    %dma_start3A_21 = arith.constant 3 : i32
    %dma_start3A_22 = arith.constant 0 : i32
    %dma_start3A_23 = tpu.memref_slice %arg6[%dma_start3A_21, %dma_start3A_22] : memref<50x128xi32, #tpu.memory_space<vmem>> -> memref<1x128xi32, #tpu.memory_space<vmem>>
    %dma_start3A_24 = tpu.memref_squeeze %dma_start3A_23 : memref<1x128xi32, #tpu.memory_space<vmem>> -> memref<128xi32, #tpu.memory_space<vmem>>
    %dma_start3A_25 = arith.constant 0 : i32
    %dma_start3A_26 = arith.constant 0 : i32
    %dma_start3A_27 = tpu.memref_slice %arg4[%dma_start3A_25, %dma_start3A_26] : memref<100000x128xf32, #tpu.memory_space<hbm>> -> memref<100000x128xf32, #tpu.memory_space<hbm>>
    tpu.enqueue_indirect_dma source(%dma_start3A_27 : memref<100000x128xf32, #tpu.memory_space<hbm>>) target(%arg11 : memref<128x128xf32, #tpu.memory_space<vmem>>) offsets(%dma_start3A_24 : memref<128xi32, #tpu.memory_space<vmem>>) semaphore(%arg17 : memref<!tpu.dma_semaphore, #tpu.memory_space<semaphore_mem>>)
    %dma_start3A_28 = arith.constant 4 : i32
    %dma_start3A_29 = arith.constant 0 : i32
    %dma_start3A_30 = tpu.memref_slice %arg6[%dma_start3A_28, %dma_start3A_29] : memref<50x128xi32, #tpu.memory_space<vmem>> -> memref<1x128xi32, #tpu.memory_space<vmem>>
    %dma_start3A_31 = tpu.memref_squeeze %dma_start3A_30 : memref<1x128xi32, #tpu.memory_space<vmem>> -> memref<128xi32, #tpu.memory_space<vmem>>
    %dma_start3A_32 = arith.constant 0 : i32
    %dma_start3A_33 = arith.constant 0 : i32
    %dma_start3A_34 = tpu.memref_slice %arg4[%dma_start3A_32, %dma_start3A_33] : memref<100000x128xf32, #tpu.memory_space<hbm>> -> memref<100000x128xf32, #tpu.memory_space<hbm>>
    tpu.enqueue_indirect_dma source(%dma_start3A_34 : memref<100000x128xf32, #tpu.memory_space<hbm>>) target(%arg12 : memref<128x128xf32, #tpu.memory_space<vmem>>) offsets(%dma_start3A_31 : memref<128xi32, #tpu.memory_space<vmem>>) semaphore(%arg18 : memref<!tpu.dma_semaphore, #tpu.memory_space<semaphore_mem>>)
    %scan3A = arith.constant 0 : i32
    %scan3A_35 = arith.constant 0 : i32
    %scan3A_36 = arith.constant 10 : i32
    %scan3A_37 = arith.addi %scan3A_35, %scan3A_36 : i32
    %scan3A_38 = arith.constant 1 : i32
    scf.for %scan3A_44 = %scan3A_35 to %scan3A_37 step %scan3A_38  : i32 {
      %mul3A_45 = arith.constant 5 : i32
      %mul3A_46 = arith.muli %mul3A_45, %scan3A_44 : i32
      %add3A_47 = arith.constant 0 : i32
      %add3A_48 = arith.addi %mul3A_46, %add3A_47 : i32
      %dma_wait3A = arith.constant 0 : i32
      %dma_wait3A_49 = tpu.memref_slice %arg6[%add3A_48, %dma_wait3A] : memref<50x128xi32, #tpu.memory_space<vmem>> -> memref<1x128xi32, #tpu.memory_space<vmem>>
      %dma_wait3A_50 = tpu.memref_squeeze %dma_wait3A_49 : memref<1x128xi32, #tpu.memory_space<vmem>> -> memref<128xi32, #tpu.memory_space<vmem>>
      %dma_wait3A_51 = arith.constant 0 : i32
      %dma_wait3A_52 = arith.constant 0 : i32
      %dma_wait3A_53 = tpu.memref_slice %arg4[%dma_wait3A_51, %dma_wait3A_52] : memref<100000x128xf32, #tpu.memory_space<hbm>> -> memref<100000x128xf32, #tpu.memory_space<hbm>>
      tpu.wait_indirect_dma semaphore(%arg14 : memref<!tpu.dma_semaphore, #tpu.memory_space<semaphore_mem>>) src(%dma_wait3A_53 : memref<100000x128xf32, #tpu.memory_space<hbm>>) dst(%arg8 : memref<128x128xf32, #tpu.memory_space<vmem>>)
      %eq3A = arith.constant 0 : i32
      %eq3A_54 = arith.cmpi eq, %add3A_48, %eq3A : i32
      %convert_element_type3A = arith.extui %eq3A_54 : i1 to i32
      %cond3A = arith.constant 0 : i32
      %cond3A_55 = arith.cmpi ne, %convert_element_type3A, %cond3A : i32
      scf.if %cond3A_55 {
        %run_scoped3A = arith.constant 0 : i32
        "tpu.region"() ({
          %run_scoped3A_174 = tpu.sem_alloc : memref<!tpu.dma_semaphore, #tpu.memory_space<semaphore_mem>>
          %dma_start3A_175 = arith.constant 0 : i32
          %dma_start3A_176 = tpu.memref_slice %arg7[%run_scoped3A, %dma_start3A_175] : memref<1x128xi32, #tpu.memory_space<vmem>> -> memref<1x128xi32, #tpu.memory_space<vmem>>
          %dma_start3A_177 = tpu.memref_squeeze %dma_start3A_176 : memref<1x128xi32, #tpu.memory_space<vmem>> -> memref<128xi32, #tpu.memory_space<vmem>>
          %dma_start3A_178 = arith.constant 0 : i32
          %dma_start3A_179 = arith.constant 0 : i32
          %dma_start3A_180 = tpu.memref_slice %arg13[%dma_start3A_178, %dma_start3A_179] : memref<2048x128xf32, #tpu.memory_space<vmem_shared>> -> memref<2048x128xf32, #tpu.memory_space<vmem_shared>>
          tpu.enqueue_indirect_dma source(%arg8 : memref<128x128xf32, #tpu.memory_space<vmem>>) target(%dma_start3A_180 : memref<2048x128xf32, #tpu.memory_space<vmem_shared>>) offsets(%dma_start3A_177 : memref<128xi32, #tpu.memory_space<vmem>>) semaphore(%run_scoped3A_174 : memref<!tpu.dma_semaphore, #tpu.memory_space<semaphore_mem>>)
          %dma_wait3A_181 = arith.constant 0 : i32
          %dma_wait3A_182 = tpu.memref_slice %arg7[%run_scoped3A, %dma_wait3A_181] : memref<1x128xi32, #tpu.memory_space<vmem>> -> memref<1x128xi32, #tpu.memory_space<vmem>>
          %dma_wait3A_183 = tpu.memref_squeeze %dma_wait3A_182 : memref<1x128xi32, #tpu.memory_space<vmem>> -> memref<128xi32, #tpu.memory_space<vmem>>
          %dma_wait3A_184 = arith.constant 0 : i32
          %dma_wait3A_185 = arith.constant 0 : i32
          %dma_wait3A_186 = tpu.memref_slice %arg13[%dma_wait3A_184, %dma_wait3A_185] : memref<2048x128xf32, #tpu.memory_space<vmem_shared>> -> memref<2048x128xf32, #tpu.memory_space<vmem_shared>>
          tpu.wait_indirect_dma semaphore(%run_scoped3A_174 : memref<!tpu.dma_semaphore, #tpu.memory_space<semaphore_mem>>) src(%arg8 : memref<128x128xf32, #tpu.memory_space<vmem>>) dst(%dma_wait3A_186 : memref<2048x128xf32, #tpu.memory_space<vmem_shared>>)
          tpu.yield
        }) : () -> ()
      } else {
      }
      %gt3A = arith.constant 0 : i32
      %gt3A_56 = arith.cmpi sgt, %add3A_48, %gt3A : i32
      %convert_element_type3A_57 = arith.extui %gt3A_56 : i1 to i32
      %cond3A_58 = arith.constant 0 : i32
      %cond3A_59 = arith.cmpi ne, %convert_element_type3A_57, %cond3A_58 : i32
      scf.if %cond3A_59 {
        %run_scoped3A = arith.constant 0 : i32
        "tpu.region"() ({
          %run_scoped3A_174 = tpu.sem_alloc : memref<!tpu.dma_semaphore, #tpu.memory_space<semaphore_mem>>
          %dma_start3A_175 = arith.constant 0 : i32
          %dma_start3A_176 = tpu.memref_slice %arg7[%run_scoped3A, %dma_start3A_175] : memref<1x128xi32, #tpu.memory_space<vmem>> -> memref<1x128xi32, #tpu.memory_space<vmem>>
          %dma_start3A_177 = tpu.memref_squeeze %dma_start3A_176 : memref<1x128xi32, #tpu.memory_space<vmem>> -> memref<128xi32, #tpu.memory_space<vmem>>
          %dma_start3A_178 = arith.constant 0 : i32
          %dma_start3A_179 = arith.constant 0 : i32
          %dma_start3A_180 = tpu.memref_slice %arg13[%dma_start3A_178, %dma_start3A_179] : memref<2048x128xf32, #tpu.memory_space<vmem_shared>> -> memref<2048x128xf32, #tpu.memory_space<vmem_shared>>
          tpu.enqueue_indirect_dma source(%arg8 : memref<128x128xf32, #tpu.memory_space<vmem>>) target(%dma_start3A_180 : memref<2048x128xf32, #tpu.memory_space<vmem_shared>>) offsets(%dma_start3A_177 : memref<128xi32, #tpu.memory_space<vmem>>) semaphore(%run_scoped3A_174 : memref<!tpu.dma_semaphore, #tpu.memory_space<semaphore_mem>>) {add = true}
          %dma_wait3A_181 = arith.constant 0 : i32
          %dma_wait3A_182 = tpu.memref_slice %arg7[%run_scoped3A, %dma_wait3A_181] : memref<1x128xi32, #tpu.memory_space<vmem>> -> memref<1x128xi32, #tpu.memory_space<vmem>>
          %dma_wait3A_183 = tpu.memref_squeeze %dma_wait3A_182 : memref<1x128xi32, #tpu.memory_space<vmem>> -> memref<128xi32, #tpu.memory_space<vmem>>
          %dma_wait3A_184 = arith.constant 0 : i32
          %dma_wait3A_185 = arith.constant 0 : i32
          %dma_wait3A_186 = tpu.memref_slice %arg13[%dma_wait3A_184, %dma_wait3A_185] : memref<2048x128xf32, #tpu.memory_space<vmem_shared>> -> memref<2048x128xf32, #tpu.memory_space<vmem_shared>>
          tpu.wait_indirect_dma semaphore(%run_scoped3A_174 : memref<!tpu.dma_semaphore, #tpu.memory_space<semaphore_mem>>) src(%arg8 : memref<128x128xf32, #tpu.memory_space<vmem>>) dst(%dma_wait3A_186 : memref<2048x128xf32, #tpu.memory_space<vmem_shared>>)
          tpu.yield
        }) : () -> ()
      } else {
      }
      %add3A_60 = arith.constant 5 : i32
      %add3A_61 = arith.addi %add3A_48, %add3A_60 : i32
      %lt3A = arith.constant 50 : i32
      %lt3A_62 = arith.cmpi slt, %add3A_61, %lt3A : i32
      %convert_element_type3A_63 = arith.extui %lt3A_62 : i1 to i32
      %cond3A_64 = arith.constant 0 : i32
      %cond3A_65 = arith.cmpi ne, %convert_element_type3A_63, %cond3A_64 : i32
      scf.if %cond3A_65 {
        %add3A_174 = arith.constant 5 : i32
        %add3A_175 = arith.addi %add3A_48, %add3A_174 : i32
        %dma_start3A_176 = arith.constant 0 : i32
        %dma_start3A_177 = tpu.memref_slice %arg6[%add3A_175, %dma_start3A_176] : memref<50x128xi32, #tpu.memory_space<vmem>> -> memref<1x128xi32, #tpu.memory_space<vmem>>
        %dma_start3A_178 = tpu.memref_squeeze %dma_start3A_177 : memref<1x128xi32, #tpu.memory_space<vmem>> -> memref<128xi32, #tpu.memory_space<vmem>>
        %dma_start3A_179 = arith.constant 0 : i32
        %dma_start3A_180 = arith.constant 0 : i32
        %dma_start3A_181 = tpu.memref_slice %arg4[%dma_start3A_179, %dma_start3A_180] : memref<100000x128xf32, #tpu.memory_space<hbm>> -> memref<100000x128xf32, #tpu.memory_space<hbm>>
        tpu.enqueue_indirect_dma source(%dma_start3A_181 : memref<100000x128xf32, #tpu.memory_space<hbm>>) target(%arg8 : memref<128x128xf32, #tpu.memory_space<vmem>>) offsets(%dma_start3A_178 : memref<128xi32, #tpu.memory_space<vmem>>) semaphore(%arg14 : memref<!tpu.dma_semaphore, #tpu.memory_space<semaphore_mem>>)
      } else {
      }
      %mul3A_66 = arith.constant 5 : i32
      %mul3A_67 = arith.muli %mul3A_66, %scan3A_44 : i32
      %add3A_68 = arith.constant 1 : i32
      %add3A_69 = arith.addi %mul3A_67, %add3A_68 : i32
      %dma_wait3A_70 = arith.constant 0 : i32
      %dma_wait3A_71 = tpu.memref_slice %arg6[%add3A_69, %dma_wait3A_70] : memref<50x128xi32, #tpu.memory_space<vmem>> -> memref<1x128xi32, #tpu.memory_space<vmem>>
      %dma_wait3A_72 = tpu.memref_squeeze %dma_wait3A_71 : memref<1x128xi32, #tpu.memory_space<vmem>> -> memref<128xi32, #tpu.memory_space<vmem>>
      %dma_wait3A_73 = arith.constant 0 : i32
      %dma_wait3A_74 = arith.constant 0 : i32
      %dma_wait3A_75 = tpu.memref_slice %arg4[%dma_wait3A_73, %dma_wait3A_74] : memref<100000x128xf32, #tpu.memory_space<hbm>> -> memref<100000x128xf32, #tpu.memory_space<hbm>>
      tpu.wait_indirect_dma semaphore(%arg15 : memref<!tpu.dma_semaphore, #tpu.memory_space<semaphore_mem>>) src(%dma_wait3A_75 : memref<100000x128xf32, #tpu.memory_space<hbm>>) dst(%arg9 : memref<128x128xf32, #tpu.memory_space<vmem>>)
      %eq3A_76 = arith.constant 0 : i32
      %eq3A_77 = arith.cmpi eq, %add3A_69, %eq3A_76 : i32
      %convert_element_type3A_78 = arith.extui %eq3A_77 : i1 to i32
      %cond3A_79 = arith.constant 0 : i32
      %cond3A_80 = arith.cmpi ne, %convert_element_type3A_78, %cond3A_79 : i32
      scf.if %cond3A_80 {
        %run_scoped3A = arith.constant 0 : i32
        "tpu.region"() ({
          %run_scoped3A_174 = tpu.sem_alloc : memref<!tpu.dma_semaphore, #tpu.memory_space<semaphore_mem>>
          %dma_start3A_175 = arith.constant 0 : i32
          %dma_start3A_176 = tpu.memref_slice %arg7[%run_scoped3A, %dma_start3A_175] : memref<1x128xi32, #tpu.memory_space<vmem>> -> memref<1x128xi32, #tpu.memory_space<vmem>>
          %dma_start3A_177 = tpu.memref_squeeze %dma_start3A_176 : memref<1x128xi32, #tpu.memory_space<vmem>> -> memref<128xi32, #tpu.memory_space<vmem>>
          %dma_start3A_178 = arith.constant 0 : i32
          %dma_start3A_179 = arith.constant 0 : i32
          %dma_start3A_180 = tpu.memref_slice %arg13[%dma_start3A_178, %dma_start3A_179] : memref<2048x128xf32, #tpu.memory_space<vmem_shared>> -> memref<2048x128xf32, #tpu.memory_space<vmem_shared>>
          tpu.enqueue_indirect_dma source(%arg9 : memref<128x128xf32, #tpu.memory_space<vmem>>) target(%dma_start3A_180 : memref<2048x128xf32, #tpu.memory_space<vmem_shared>>) offsets(%dma_start3A_177 : memref<128xi32, #tpu.memory_space<vmem>>) semaphore(%run_scoped3A_174 : memref<!tpu.dma_semaphore, #tpu.memory_space<semaphore_mem>>)
          %dma_wait3A_181 = arith.constant 0 : i32
          %dma_wait3A_182 = tpu.memref_slice %arg7[%run_scoped3A, %dma_wait3A_181] : memref<1x128xi32, #tpu.memory_space<vmem>> -> memref<1x128xi32, #tpu.memory_space<vmem>>
          %dma_wait3A_183 = tpu.memref_squeeze %dma_wait3A_182 : memref<1x128xi32, #tpu.memory_space<vmem>> -> memref<128xi32, #tpu.memory_space<vmem>>
          %dma_wait3A_184 = arith.constant 0 : i32
          %dma_wait3A_185 = arith.constant 0 : i32
          %dma_wait3A_186 = tpu.memref_slice %arg13[%dma_wait3A_184, %dma_wait3A_185] : memref<2048x128xf32, #tpu.memory_space<vmem_shared>> -> memref<2048x128xf32, #tpu.memory_space<vmem_shared>>
          tpu.wait_indirect_dma semaphore(%run_scoped3A_174 : memref<!tpu.dma_semaphore, #tpu.memory_space<semaphore_mem>>) src(%arg9 : memref<128x128xf32, #tpu.memory_space<vmem>>) dst(%dma_wait3A_186 : memref<2048x128xf32, #tpu.memory_space<vmem_shared>>)
          tpu.yield
        }) : () -> ()
      } else {
      }
      %gt3A_81 = arith.constant 0 : i32
      %gt3A_82 = arith.cmpi sgt, %add3A_69, %gt3A_81 : i32
      %convert_element_type3A_83 = arith.extui %gt3A_82 : i1 to i32
      %cond3A_84 = arith.constant 0 : i32
      %cond3A_85 = arith.cmpi ne, %convert_element_type3A_83, %cond3A_84 : i32
      scf.if %cond3A_85 {
        %run_scoped3A = arith.constant 0 : i32
        "tpu.region"() ({
          %run_scoped3A_174 = tpu.sem_alloc : memref<!tpu.dma_semaphore, #tpu.memory_space<semaphore_mem>>
          %dma_start3A_175 = arith.constant 0 : i32
          %dma_start3A_176 = tpu.memref_slice %arg7[%run_scoped3A, %dma_start3A_175] : memref<1x128xi32, #tpu.memory_space<vmem>> -> memref<1x128xi32, #tpu.memory_space<vmem>>
          %dma_start3A_177 = tpu.memref_squeeze %dma_start3A_176 : memref<1x128xi32, #tpu.memory_space<vmem>> -> memref<128xi32, #tpu.memory_space<vmem>>
          %dma_start3A_178 = arith.constant 0 : i32
          %dma_start3A_179 = arith.constant 0 : i32
          %dma_start3A_180 = tpu.memref_slice %arg13[%dma_start3A_178, %dma_start3A_179] : memref<2048x128xf32, #tpu.memory_space<vmem_shared>> -> memref<2048x128xf32, #tpu.memory_space<vmem_shared>>
          tpu.enqueue_indirect_dma source(%arg9 : memref<128x128xf32, #tpu.memory_space<vmem>>) target(%dma_start3A_180 : memref<2048x128xf32, #tpu.memory_space<vmem_shared>>) offsets(%dma_start3A_177 : memref<128xi32, #tpu.memory_space<vmem>>) semaphore(%run_scoped3A_174 : memref<!tpu.dma_semaphore, #tpu.memory_space<semaphore_mem>>) {add = true}
          %dma_wait3A_181 = arith.constant 0 : i32
          %dma_wait3A_182 = tpu.memref_slice %arg7[%run_scoped3A, %dma_wait3A_181] : memref<1x128xi32, #tpu.memory_space<vmem>> -> memref<1x128xi32, #tpu.memory_space<vmem>>
          %dma_wait3A_183 = tpu.memref_squeeze %dma_wait3A_182 : memref<1x128xi32, #tpu.memory_space<vmem>> -> memref<128xi32, #tpu.memory_space<vmem>>
          %dma_wait3A_184 = arith.constant 0 : i32
          %dma_wait3A_185 = arith.constant 0 : i32
          %dma_wait3A_186 = tpu.memref_slice %arg13[%dma_wait3A_184, %dma_wait3A_185] : memref<2048x128xf32, #tpu.memory_space<vmem_shared>> -> memref<2048x128xf32, #tpu.memory_space<vmem_shared>>
          tpu.wait_indirect_dma semaphore(%run_scoped3A_174 : memref<!tpu.dma_semaphore, #tpu.memory_space<semaphore_mem>>) src(%arg9 : memref<128x128xf32, #tpu.memory_space<vmem>>) dst(%dma_wait3A_186 : memref<2048x128xf32, #tpu.memory_space<vmem_shared>>)
          tpu.yield
        }) : () -> ()
      } else {
      }
      %add3A_86 = arith.constant 5 : i32
      %add3A_87 = arith.addi %add3A_69, %add3A_86 : i32
      %lt3A_88 = arith.constant 50 : i32
      %lt3A_89 = arith.cmpi slt, %add3A_87, %lt3A_88 : i32
      %convert_element_type3A_90 = arith.extui %lt3A_89 : i1 to i32
      %cond3A_91 = arith.constant 0 : i32
      %cond3A_92 = arith.cmpi ne, %convert_element_type3A_90, %cond3A_91 : i32
      scf.if %cond3A_92 {
        %add3A_174 = arith.constant 5 : i32
        %add3A_175 = arith.addi %add3A_69, %add3A_174 : i32
        %dma_start3A_176 = arith.constant 0 : i32
        %dma_start3A_177 = tpu.memref_slice %arg6[%add3A_175, %dma_start3A_176] : memref<50x128xi32, #tpu.memory_space<vmem>> -> memref<1x128xi32, #tpu.memory_space<vmem>>
        %dma_start3A_178 = tpu.memref_squeeze %dma_start3A_177 : memref<1x128xi32, #tpu.memory_space<vmem>> -> memref<128xi32, #tpu.memory_space<vmem>>
        %dma_start3A_179 = arith.constant 0 : i32
        %dma_start3A_180 = arith.constant 0 : i32
        %dma_start3A_181 = tpu.memref_slice %arg4[%dma_start3A_179, %dma_start3A_180] : memref<100000x128xf32, #tpu.memory_space<hbm>> -> memref<100000x128xf32, #tpu.memory_space<hbm>>
        tpu.enqueue_indirect_dma source(%dma_start3A_181 : memref<100000x128xf32, #tpu.memory_space<hbm>>) target(%arg9 : memref<128x128xf32, #tpu.memory_space<vmem>>) offsets(%dma_start3A_178 : memref<128xi32, #tpu.memory_space<vmem>>) semaphore(%arg15 : memref<!tpu.dma_semaphore, #tpu.memory_space<semaphore_mem>>)
      } else {
      }
      %mul3A_93 = arith.constant 5 : i32
      %mul3A_94 = arith.muli %mul3A_93, %scan3A_44 : i32
      %add3A_95 = arith.constant 2 : i32
      %add3A_96 = arith.addi %mul3A_94, %add3A_95 : i32
      %dma_wait3A_97 = arith.constant 0 : i32
      %dma_wait3A_98 = tpu.memref_slice %arg6[%add3A_96, %dma_wait3A_97] : memref<50x128xi32, #tpu.memory_space<vmem>> -> memref<1x128xi32, #tpu.memory_space<vmem>>
      %dma_wait3A_99 = tpu.memref_squeeze %dma_wait3A_98 : memref<1x128xi32, #tpu.memory_space<vmem>> -> memref<128xi32, #tpu.memory_space<vmem>>
      %dma_wait3A_100 = arith.constant 0 : i32
      %dma_wait3A_101 = arith.constant 0 : i32
      %dma_wait3A_102 = tpu.memref_slice %arg4[%dma_wait3A_100, %dma_wait3A_101] : memref<100000x128xf32, #tpu.memory_space<hbm>> -> memref<100000x128xf32, #tpu.memory_space<hbm>>
      tpu.wait_indirect_dma semaphore(%arg16 : memref<!tpu.dma_semaphore, #tpu.memory_space<semaphore_mem>>) src(%dma_wait3A_102 : memref<100000x128xf32, #tpu.memory_space<hbm>>) dst(%arg10 : memref<128x128xf32, #tpu.memory_space<vmem>>)
      %eq3A_103 = arith.constant 0 : i32
      %eq3A_104 = arith.cmpi eq, %add3A_96, %eq3A_103 : i32
      %convert_element_type3A_105 = arith.extui %eq3A_104 : i1 to i32
      %cond3A_106 = arith.constant 0 : i32
      %cond3A_107 = arith.cmpi ne, %convert_element_type3A_105, %cond3A_106 : i32
      scf.if %cond3A_107 {
        %run_scoped3A = arith.constant 0 : i32
        "tpu.region"() ({
          %run_scoped3A_174 = tpu.sem_alloc : memref<!tpu.dma_semaphore, #tpu.memory_space<semaphore_mem>>
          %dma_start3A_175 = arith.constant 0 : i32
          %dma_start3A_176 = tpu.memref_slice %arg7[%run_scoped3A, %dma_start3A_175] : memref<1x128xi32, #tpu.memory_space<vmem>> -> memref<1x128xi32, #tpu.memory_space<vmem>>
          %dma_start3A_177 = tpu.memref_squeeze %dma_start3A_176 : memref<1x128xi32, #tpu.memory_space<vmem>> -> memref<128xi32, #tpu.memory_space<vmem>>
          %dma_start3A_178 = arith.constant 0 : i32
          %dma_start3A_179 = arith.constant 0 : i32
          %dma_start3A_180 = tpu.memref_slice %arg13[%dma_start3A_178, %dma_start3A_179] : memref<2048x128xf32, #tpu.memory_space<vmem_shared>> -> memref<2048x128xf32, #tpu.memory_space<vmem_shared>>
          tpu.enqueue_indirect_dma source(%arg10 : memref<128x128xf32, #tpu.memory_space<vmem>>) target(%dma_start3A_180 : memref<2048x128xf32, #tpu.memory_space<vmem_shared>>) offsets(%dma_start3A_177 : memref<128xi32, #tpu.memory_space<vmem>>) semaphore(%run_scoped3A_174 : memref<!tpu.dma_semaphore, #tpu.memory_space<semaphore_mem>>)
          %dma_wait3A_181 = arith.constant 0 : i32
          %dma_wait3A_182 = tpu.memref_slice %arg7[%run_scoped3A, %dma_wait3A_181] : memref<1x128xi32, #tpu.memory_space<vmem>> -> memref<1x128xi32, #tpu.memory_space<vmem>>
          %dma_wait3A_183 = tpu.memref_squeeze %dma_wait3A_182 : memref<1x128xi32, #tpu.memory_space<vmem>> -> memref<128xi32, #tpu.memory_space<vmem>>
          %dma_wait3A_184 = arith.constant 0 : i32
          %dma_wait3A_185 = arith.constant 0 : i32
          %dma_wait3A_186 = tpu.memref_slice %arg13[%dma_wait3A_184, %dma_wait3A_185] : memref<2048x128xf32, #tpu.memory_space<vmem_shared>> -> memref<2048x128xf32, #tpu.memory_space<vmem_shared>>
          tpu.wait_indirect_dma semaphore(%run_scoped3A_174 : memref<!tpu.dma_semaphore, #tpu.memory_space<semaphore_mem>>) src(%arg10 : memref<128x128xf32, #tpu.memory_space<vmem>>) dst(%dma_wait3A_186 : memref<2048x128xf32, #tpu.memory_space<vmem_shared>>)
          tpu.yield
        }) : () -> ()
      } else {
      }
      %gt3A_108 = arith.constant 0 : i32
      %gt3A_109 = arith.cmpi sgt, %add3A_96, %gt3A_108 : i32
      %convert_element_type3A_110 = arith.extui %gt3A_109 : i1 to i32
      %cond3A_111 = arith.constant 0 : i32
      %cond3A_112 = arith.cmpi ne, %convert_element_type3A_110, %cond3A_111 : i32
      scf.if %cond3A_112 {
        %run_scoped3A = arith.constant 0 : i32
        "tpu.region"() ({
          %run_scoped3A_174 = tpu.sem_alloc : memref<!tpu.dma_semaphore, #tpu.memory_space<semaphore_mem>>
          %dma_start3A_175 = arith.constant 0 : i32
          %dma_start3A_176 = tpu.memref_slice %arg7[%run_scoped3A, %dma_start3A_175] : memref<1x128xi32, #tpu.memory_space<vmem>> -> memref<1x128xi32, #tpu.memory_space<vmem>>
          %dma_start3A_177 = tpu.memref_squeeze %dma_start3A_176 : memref<1x128xi32, #tpu.memory_space<vmem>> -> memref<128xi32, #tpu.memory_space<vmem>>
          %dma_start3A_178 = arith.constant 0 : i32
          %dma_start3A_179 = arith.constant 0 : i32
          %dma_start3A_180 = tpu.memref_slice %arg13[%dma_start3A_178, %dma_start3A_179] : memref<2048x128xf32, #tpu.memory_space<vmem_shared>> -> memref<2048x128xf32, #tpu.memory_space<vmem_shared>>
          tpu.enqueue_indirect_dma source(%arg10 : memref<128x128xf32, #tpu.memory_space<vmem>>) target(%dma_start3A_180 : memref<2048x128xf32, #tpu.memory_space<vmem_shared>>) offsets(%dma_start3A_177 : memref<128xi32, #tpu.memory_space<vmem>>) semaphore(%run_scoped3A_174 : memref<!tpu.dma_semaphore, #tpu.memory_space<semaphore_mem>>) {add = true}
          %dma_wait3A_181 = arith.constant 0 : i32
          %dma_wait3A_182 = tpu.memref_slice %arg7[%run_scoped3A, %dma_wait3A_181] : memref<1x128xi32, #tpu.memory_space<vmem>> -> memref<1x128xi32, #tpu.memory_space<vmem>>
          %dma_wait3A_183 = tpu.memref_squeeze %dma_wait3A_182 : memref<1x128xi32, #tpu.memory_space<vmem>> -> memref<128xi32, #tpu.memory_space<vmem>>
          %dma_wait3A_184 = arith.constant 0 : i32
          %dma_wait3A_185 = arith.constant 0 : i32
          %dma_wait3A_186 = tpu.memref_slice %arg13[%dma_wait3A_184, %dma_wait3A_185] : memref<2048x128xf32, #tpu.memory_space<vmem_shared>> -> memref<2048x128xf32, #tpu.memory_space<vmem_shared>>
          tpu.wait_indirect_dma semaphore(%run_scoped3A_174 : memref<!tpu.dma_semaphore, #tpu.memory_space<semaphore_mem>>) src(%arg10 : memref<128x128xf32, #tpu.memory_space<vmem>>) dst(%dma_wait3A_186 : memref<2048x128xf32, #tpu.memory_space<vmem_shared>>)
          tpu.yield
        }) : () -> ()
      } else {
      }
      %add3A_113 = arith.constant 5 : i32
      %add3A_114 = arith.addi %add3A_96, %add3A_113 : i32
      %lt3A_115 = arith.constant 50 : i32
      %lt3A_116 = arith.cmpi slt, %add3A_114, %lt3A_115 : i32
      %convert_element_type3A_117 = arith.extui %lt3A_116 : i1 to i32
      %cond3A_118 = arith.constant 0 : i32
      %cond3A_119 = arith.cmpi ne, %convert_element_type3A_117, %cond3A_118 : i32
      scf.if %cond3A_119 {
        %add3A_174 = arith.constant 5 : i32
        %add3A_175 = arith.addi %add3A_96, %add3A_174 : i32
        %dma_start3A_176 = arith.constant 0 : i32
        %dma_start3A_177 = tpu.memref_slice %arg6[%add3A_175, %dma_start3A_176] : memref<50x128xi32, #tpu.memory_space<vmem>> -> memref<1x128xi32, #tpu.memory_space<vmem>>
        %dma_start3A_178 = tpu.memref_squeeze %dma_start3A_177 : memref<1x128xi32, #tpu.memory_space<vmem>> -> memref<128xi32, #tpu.memory_space<vmem>>
        %dma_start3A_179 = arith.constant 0 : i32
        %dma_start3A_180 = arith.constant 0 : i32
        %dma_start3A_181 = tpu.memref_slice %arg4[%dma_start3A_179, %dma_start3A_180] : memref<100000x128xf32, #tpu.memory_space<hbm>> -> memref<100000x128xf32, #tpu.memory_space<hbm>>
        tpu.enqueue_indirect_dma source(%dma_start3A_181 : memref<100000x128xf32, #tpu.memory_space<hbm>>) target(%arg10 : memref<128x128xf32, #tpu.memory_space<vmem>>) offsets(%dma_start3A_178 : memref<128xi32, #tpu.memory_space<vmem>>) semaphore(%arg16 : memref<!tpu.dma_semaphore, #tpu.memory_space<semaphore_mem>>)
      } else {
      }
      %mul3A_120 = arith.constant 5 : i32
      %mul3A_121 = arith.muli %mul3A_120, %scan3A_44 : i32
      %add3A_122 = arith.constant 3 : i32
      %add3A_123 = arith.addi %mul3A_121, %add3A_122 : i32
      %dma_wait3A_124 = arith.constant 0 : i32
      %dma_wait3A_125 = tpu.memref_slice %arg6[%add3A_123, %dma_wait3A_124] : memref<50x128xi32, #tpu.memory_space<vmem>> -> memref<1x128xi32, #tpu.memory_space<vmem>>
      %dma_wait3A_126 = tpu.memref_squeeze %dma_wait3A_125 : memref<1x128xi32, #tpu.memory_space<vmem>> -> memref<128xi32, #tpu.memory_space<vmem>>
      %dma_wait3A_127 = arith.constant 0 : i32
      %dma_wait3A_128 = arith.constant 0 : i32
      %dma_wait3A_129 = tpu.memref_slice %arg4[%dma_wait3A_127, %dma_wait3A_128] : memref<100000x128xf32, #tpu.memory_space<hbm>> -> memref<100000x128xf32, #tpu.memory_space<hbm>>
      tpu.wait_indirect_dma semaphore(%arg17 : memref<!tpu.dma_semaphore, #tpu.memory_space<semaphore_mem>>) src(%dma_wait3A_129 : memref<100000x128xf32, #tpu.memory_space<hbm>>) dst(%arg11 : memref<128x128xf32, #tpu.memory_space<vmem>>)
      %eq3A_130 = arith.constant 0 : i32
      %eq3A_131 = arith.cmpi eq, %add3A_123, %eq3A_130 : i32
      %convert_element_type3A_132 = arith.extui %eq3A_131 : i1 to i32
      %cond3A_133 = arith.constant 0 : i32
      %cond3A_134 = arith.cmpi ne, %convert_element_type3A_132, %cond3A_133 : i32
      scf.if %cond3A_134 {
        %run_scoped3A = arith.constant 0 : i32
        "tpu.region"() ({
          %run_scoped3A_174 = tpu.sem_alloc : memref<!tpu.dma_semaphore, #tpu.memory_space<semaphore_mem>>
          %dma_start3A_175 = arith.constant 0 : i32
          %dma_start3A_176 = tpu.memref_slice %arg7[%run_scoped3A, %dma_start3A_175] : memref<1x128xi32, #tpu.memory_space<vmem>> -> memref<1x128xi32, #tpu.memory_space<vmem>>
          %dma_start3A_177 = tpu.memref_squeeze %dma_start3A_176 : memref<1x128xi32, #tpu.memory_space<vmem>> -> memref<128xi32, #tpu.memory_space<vmem>>
          %dma_start3A_178 = arith.constant 0 : i32
          %dma_start3A_179 = arith.constant 0 : i32
          %dma_start3A_180 = tpu.memref_slice %arg13[%dma_start3A_178, %dma_start3A_179] : memref<2048x128xf32, #tpu.memory_space<vmem_shared>> -> memref<2048x128xf32, #tpu.memory_space<vmem_shared>>
          tpu.enqueue_indirect_dma source(%arg11 : memref<128x128xf32, #tpu.memory_space<vmem>>) target(%dma_start3A_180 : memref<2048x128xf32, #tpu.memory_space<vmem_shared>>) offsets(%dma_start3A_177 : memref<128xi32, #tpu.memory_space<vmem>>) semaphore(%run_scoped3A_174 : memref<!tpu.dma_semaphore, #tpu.memory_space<semaphore_mem>>)
          %dma_wait3A_181 = arith.constant 0 : i32
          %dma_wait3A_182 = tpu.memref_slice %arg7[%run_scoped3A, %dma_wait3A_181] : memref<1x128xi32, #tpu.memory_space<vmem>> -> memref<1x128xi32, #tpu.memory_space<vmem>>
          %dma_wait3A_183 = tpu.memref_squeeze %dma_wait3A_182 : memref<1x128xi32, #tpu.memory_space<vmem>> -> memref<128xi32, #tpu.memory_space<vmem>>
          %dma_wait3A_184 = arith.constant 0 : i32
          %dma_wait3A_185 = arith.constant 0 : i32
          %dma_wait3A_186 = tpu.memref_slice %arg13[%dma_wait3A_184, %dma_wait3A_185] : memref<2048x128xf32, #tpu.memory_space<vmem_shared>> -> memref<2048x128xf32, #tpu.memory_space<vmem_shared>>
          tpu.wait_indirect_dma semaphore(%run_scoped3A_174 : memref<!tpu.dma_semaphore, #tpu.memory_space<semaphore_mem>>) src(%arg11 : memref<128x128xf32, #tpu.memory_space<vmem>>) dst(%dma_wait3A_186 : memref<2048x128xf32, #tpu.memory_space<vmem_shared>>)
          tpu.yield
        }) : () -> ()
      } else {
      }
      %gt3A_135 = arith.constant 0 : i32
      %gt3A_136 = arith.cmpi sgt, %add3A_123, %gt3A_135 : i32
      %convert_element_type3A_137 = arith.extui %gt3A_136 : i1 to i32
      %cond3A_138 = arith.constant 0 : i32
      %cond3A_139 = arith.cmpi ne, %convert_element_type3A_137, %cond3A_138 : i32
      scf.if %cond3A_139 {
        %run_scoped3A = arith.constant 0 : i32
        "tpu.region"() ({
          %run_scoped3A_174 = tpu.sem_alloc : memref<!tpu.dma_semaphore, #tpu.memory_space<semaphore_mem>>
          %dma_start3A_175 = arith.constant 0 : i32
          %dma_start3A_176 = tpu.memref_slice %arg7[%run_scoped3A, %dma_start3A_175] : memref<1x128xi32, #tpu.memory_space<vmem>> -> memref<1x128xi32, #tpu.memory_space<vmem>>
          %dma_start3A_177 = tpu.memref_squeeze %dma_start3A_176 : memref<1x128xi32, #tpu.memory_space<vmem>> -> memref<128xi32, #tpu.memory_space<vmem>>
          %dma_start3A_178 = arith.constant 0 : i32
          %dma_start3A_179 = arith.constant 0 : i32
          %dma_start3A_180 = tpu.memref_slice %arg13[%dma_start3A_178, %dma_start3A_179] : memref<2048x128xf32, #tpu.memory_space<vmem_shared>> -> memref<2048x128xf32, #tpu.memory_space<vmem_shared>>
          tpu.enqueue_indirect_dma source(%arg11 : memref<128x128xf32, #tpu.memory_space<vmem>>) target(%dma_start3A_180 : memref<2048x128xf32, #tpu.memory_space<vmem_shared>>) offsets(%dma_start3A_177 : memref<128xi32, #tpu.memory_space<vmem>>) semaphore(%run_scoped3A_174 : memref<!tpu.dma_semaphore, #tpu.memory_space<semaphore_mem>>) {add = true}
          %dma_wait3A_181 = arith.constant 0 : i32
          %dma_wait3A_182 = tpu.memref_slice %arg7[%run_scoped3A, %dma_wait3A_181] : memref<1x128xi32, #tpu.memory_space<vmem>> -> memref<1x128xi32, #tpu.memory_space<vmem>>
          %dma_wait3A_183 = tpu.memref_squeeze %dma_wait3A_182 : memref<1x128xi32, #tpu.memory_space<vmem>> -> memref<128xi32, #tpu.memory_space<vmem>>
          %dma_wait3A_184 = arith.constant 0 : i32
          %dma_wait3A_185 = arith.constant 0 : i32
          %dma_wait3A_186 = tpu.memref_slice %arg13[%dma_wait3A_184, %dma_wait3A_185] : memref<2048x128xf32, #tpu.memory_space<vmem_shared>> -> memref<2048x128xf32, #tpu.memory_space<vmem_shared>>
          tpu.wait_indirect_dma semaphore(%run_scoped3A_174 : memref<!tpu.dma_semaphore, #tpu.memory_space<semaphore_mem>>) src(%arg11 : memref<128x128xf32, #tpu.memory_space<vmem>>) dst(%dma_wait3A_186 : memref<2048x128xf32, #tpu.memory_space<vmem_shared>>)
          tpu.yield
        }) : () -> ()
      } else {
      }
      %add3A_140 = arith.constant 5 : i32
      %add3A_141 = arith.addi %add3A_123, %add3A_140 : i32
      %lt3A_142 = arith.constant 50 : i32
      %lt3A_143 = arith.cmpi slt, %add3A_141, %lt3A_142 : i32
      %convert_element_type3A_144 = arith.extui %lt3A_143 : i1 to i32
      %cond3A_145 = arith.constant 0 : i32
      %cond3A_146 = arith.cmpi ne, %convert_element_type3A_144, %cond3A_145 : i32
      scf.if %cond3A_146 {
        %add3A_174 = arith.constant 5 : i32
        %add3A_175 = arith.addi %add3A_123, %add3A_174 : i32
        %dma_start3A_176 = arith.constant 0 : i32
        %dma_start3A_177 = tpu.memref_slice %arg6[%add3A_175, %dma_start3A_176] : memref<50x128xi32, #tpu.memory_space<vmem>> -> memref<1x128xi32, #tpu.memory_space<vmem>>
        %dma_start3A_178 = tpu.memref_squeeze %dma_start3A_177 : memref<1x128xi32, #tpu.memory_space<vmem>> -> memref<128xi32, #tpu.memory_space<vmem>>
        %dma_start3A_179 = arith.constant 0 : i32
        %dma_start3A_180 = arith.constant 0 : i32
        %dma_start3A_181 = tpu.memref_slice %arg4[%dma_start3A_179, %dma_start3A_180] : memref<100000x128xf32, #tpu.memory_space<hbm>> -> memref<100000x128xf32, #tpu.memory_space<hbm>>
        tpu.enqueue_indirect_dma source(%dma_start3A_181 : memref<100000x128xf32, #tpu.memory_space<hbm>>) target(%arg11 : memref<128x128xf32, #tpu.memory_space<vmem>>) offsets(%dma_start3A_178 : memref<128xi32, #tpu.memory_space<vmem>>) semaphore(%arg17 : memref<!tpu.dma_semaphore, #tpu.memory_space<semaphore_mem>>)
      } else {
      }
      %mul3A_147 = arith.constant 5 : i32
      %mul3A_148 = arith.muli %mul3A_147, %scan3A_44 : i32
      %add3A_149 = arith.constant 4 : i32
      %add3A_150 = arith.addi %mul3A_148, %add3A_149 : i32
      %dma_wait3A_151 = arith.constant 0 : i32
      %dma_wait3A_152 = tpu.memref_slice %arg6[%add3A_150, %dma_wait3A_151] : memref<50x128xi32, #tpu.memory_space<vmem>> -> memref<1x128xi32, #tpu.memory_space<vmem>>
      %dma_wait3A_153 = tpu.memref_squeeze %dma_wait3A_152 : memref<1x128xi32, #tpu.memory_space<vmem>> -> memref<128xi32, #tpu.memory_space<vmem>>
      %dma_wait3A_154 = arith.constant 0 : i32
      %dma_wait3A_155 = arith.constant 0 : i32
      %dma_wait3A_156 = tpu.memref_slice %arg4[%dma_wait3A_154, %dma_wait3A_155] : memref<100000x128xf32, #tpu.memory_space<hbm>> -> memref<100000x128xf32, #tpu.memory_space<hbm>>
      tpu.wait_indirect_dma semaphore(%arg18 : memref<!tpu.dma_semaphore, #tpu.memory_space<semaphore_mem>>) src(%dma_wait3A_156 : memref<100000x128xf32, #tpu.memory_space<hbm>>) dst(%arg12 : memref<128x128xf32, #tpu.memory_space<vmem>>)
      %eq3A_157 = arith.constant 0 : i32
      %eq3A_158 = arith.cmpi eq, %add3A_150, %eq3A_157 : i32
      %convert_element_type3A_159 = arith.extui %eq3A_158 : i1 to i32
      %cond3A_160 = arith.constant 0 : i32
      %cond3A_161 = arith.cmpi ne, %convert_element_type3A_159, %cond3A_160 : i32
      scf.if %cond3A_161 {
        %run_scoped3A = arith.constant 0 : i32
        "tpu.region"() ({
          %run_scoped3A_174 = tpu.sem_alloc : memref<!tpu.dma_semaphore, #tpu.memory_space<semaphore_mem>>
          %dma_start3A_175 = arith.constant 0 : i32
          %dma_start3A_176 = tpu.memref_slice %arg7[%run_scoped3A, %dma_start3A_175] : memref<1x128xi32, #tpu.memory_space<vmem>> -> memref<1x128xi32, #tpu.memory_space<vmem>>
          %dma_start3A_177 = tpu.memref_squeeze %dma_start3A_176 : memref<1x128xi32, #tpu.memory_space<vmem>> -> memref<128xi32, #tpu.memory_space<vmem>>
          %dma_start3A_178 = arith.constant 0 : i32
          %dma_start3A_179 = arith.constant 0 : i32
          %dma_start3A_180 = tpu.memref_slice %arg13[%dma_start3A_178, %dma_start3A_179] : memref<2048x128xf32, #tpu.memory_space<vmem_shared>> -> memref<2048x128xf32, #tpu.memory_space<vmem_shared>>
          tpu.enqueue_indirect_dma source(%arg12 : memref<128x128xf32, #tpu.memory_space<vmem>>) target(%dma_start3A_180 : memref<2048x128xf32, #tpu.memory_space<vmem_shared>>) offsets(%dma_start3A_177 : memref<128xi32, #tpu.memory_space<vmem>>) semaphore(%run_scoped3A_174 : memref<!tpu.dma_semaphore, #tpu.memory_space<semaphore_mem>>)
          %dma_wait3A_181 = arith.constant 0 : i32
          %dma_wait3A_182 = tpu.memref_slice %arg7[%run_scoped3A, %dma_wait3A_181] : memref<1x128xi32, #tpu.memory_space<vmem>> -> memref<1x128xi32, #tpu.memory_space<vmem>>
          %dma_wait3A_183 = tpu.memref_squeeze %dma_wait3A_182 : memref<1x128xi32, #tpu.memory_space<vmem>> -> memref<128xi32, #tpu.memory_space<vmem>>
          %dma_wait3A_184 = arith.constant 0 : i32
          %dma_wait3A_185 = arith.constant 0 : i32
          %dma_wait3A_186 = tpu.memref_slice %arg13[%dma_wait3A_184, %dma_wait3A_185] : memref<2048x128xf32, #tpu.memory_space<vmem_shared>> -> memref<2048x128xf32, #tpu.memory_space<vmem_shared>>
          tpu.wait_indirect_dma semaphore(%run_scoped3A_174 : memref<!tpu.dma_semaphore, #tpu.memory_space<semaphore_mem>>) src(%arg12 : memref<128x128xf32, #tpu.memory_space<vmem>>) dst(%dma_wait3A_186 : memref<2048x128xf32, #tpu.memory_space<vmem_shared>>)
          tpu.yield
        }) : () -> ()
      } else {
      }
      %gt3A_162 = arith.constant 0 : i32
      %gt3A_163 = arith.cmpi sgt, %add3A_150, %gt3A_162 : i32
      %convert_element_type3A_164 = arith.extui %gt3A_163 : i1 to i32
      %cond3A_165 = arith.constant 0 : i32
      %cond3A_166 = arith.cmpi ne, %convert_element_type3A_164, %cond3A_165 : i32
      scf.if %cond3A_166 {
        %run_scoped3A = arith.constant 0 : i32
        "tpu.region"() ({
          %run_scoped3A_174 = tpu.sem_alloc : memref<!tpu.dma_semaphore, #tpu.memory_space<semaphore_mem>>
          %dma_start3A_175 = arith.constant 0 : i32
          %dma_start3A_176 = tpu.memref_slice %arg7[%run_scoped3A, %dma_start3A_175] : memref<1x128xi32, #tpu.memory_space<vmem>> -> memref<1x128xi32, #tpu.memory_space<vmem>>
          %dma_start3A_177 = tpu.memref_squeeze %dma_start3A_176 : memref<1x128xi32, #tpu.memory_space<vmem>> -> memref<128xi32, #tpu.memory_space<vmem>>
          %dma_start3A_178 = arith.constant 0 : i32
          %dma_start3A_179 = arith.constant 0 : i32
          %dma_start3A_180 = tpu.memref_slice %arg13[%dma_start3A_178, %dma_start3A_179] : memref<2048x128xf32, #tpu.memory_space<vmem_shared>> -> memref<2048x128xf32, #tpu.memory_space<vmem_shared>>
          tpu.enqueue_indirect_dma source(%arg12 : memref<128x128xf32, #tpu.memory_space<vmem>>) target(%dma_start3A_180 : memref<2048x128xf32, #tpu.memory_space<vmem_shared>>) offsets(%dma_start3A_177 : memref<128xi32, #tpu.memory_space<vmem>>) semaphore(%run_scoped3A_174 : memref<!tpu.dma_semaphore, #tpu.memory_space<semaphore_mem>>) {add = true}
          %dma_wait3A_181 = arith.constant 0 : i32
          %dma_wait3A_182 = tpu.memref_slice %arg7[%run_scoped3A, %dma_wait3A_181] : memref<1x128xi32, #tpu.memory_space<vmem>> -> memref<1x128xi32, #tpu.memory_space<vmem>>
          %dma_wait3A_183 = tpu.memref_squeeze %dma_wait3A_182 : memref<1x128xi32, #tpu.memory_space<vmem>> -> memref<128xi32, #tpu.memory_space<vmem>>
          %dma_wait3A_184 = arith.constant 0 : i32
          %dma_wait3A_185 = arith.constant 0 : i32
          %dma_wait3A_186 = tpu.memref_slice %arg13[%dma_wait3A_184, %dma_wait3A_185] : memref<2048x128xf32, #tpu.memory_space<vmem_shared>> -> memref<2048x128xf32, #tpu.memory_space<vmem_shared>>
          tpu.wait_indirect_dma semaphore(%run_scoped3A_174 : memref<!tpu.dma_semaphore, #tpu.memory_space<semaphore_mem>>) src(%arg12 : memref<128x128xf32, #tpu.memory_space<vmem>>) dst(%dma_wait3A_186 : memref<2048x128xf32, #tpu.memory_space<vmem_shared>>)
          tpu.yield
        }) : () -> ()
      } else {
      }
      %add3A_167 = arith.constant 5 : i32
      %add3A_168 = arith.addi %add3A_150, %add3A_167 : i32
      %lt3A_169 = arith.constant 50 : i32
      %lt3A_170 = arith.cmpi slt, %add3A_168, %lt3A_169 : i32
      %convert_element_type3A_171 = arith.extui %lt3A_170 : i1 to i32
      %cond3A_172 = arith.constant 0 : i32
      %cond3A_173 = arith.cmpi ne, %convert_element_type3A_171, %cond3A_172 : i32
      scf.if %cond3A_173 {
        %add3A_174 = arith.constant 5 : i32
        %add3A_175 = arith.addi %add3A_150, %add3A_174 : i32
        %dma_start3A_176 = arith.constant 0 : i32
        %dma_start3A_177 = tpu.memref_slice %arg6[%add3A_175, %dma_start3A_176] : memref<50x128xi32, #tpu.memory_space<vmem>> -> memref<1x128xi32, #tpu.memory_space<vmem>>
        %dma_start3A_178 = tpu.memref_squeeze %dma_start3A_177 : memref<1x128xi32, #tpu.memory_space<vmem>> -> memref<128xi32, #tpu.memory_space<vmem>>
        %dma_start3A_179 = arith.constant 0 : i32
        %dma_start3A_180 = arith.constant 0 : i32
        %dma_start3A_181 = tpu.memref_slice %arg4[%dma_start3A_179, %dma_start3A_180] : memref<100000x128xf32, #tpu.memory_space<hbm>> -> memref<100000x128xf32, #tpu.memory_space<hbm>>
        tpu.enqueue_indirect_dma source(%dma_start3A_181 : memref<100000x128xf32, #tpu.memory_space<hbm>>) target(%arg12 : memref<128x128xf32, #tpu.memory_space<vmem>>) offsets(%dma_start3A_178 : memref<128xi32, #tpu.memory_space<vmem>>) semaphore(%arg18 : memref<!tpu.dma_semaphore, #tpu.memory_space<semaphore_mem>>)
      } else {
      }
    }
    %scan3A_39 = arith.constant 10 : i32
    %mul3A_40 = arith.constant 128 : i32
    %mul3A_41 = arith.muli %arg1, %mul3A_40 : i32
    %mul3A_42 = arith.constant 128 : i32
    %mul3A_43 = arith.muli %add3A, %mul3A_42 : i32
    "tpu.region"() ({
      %run_scoped3A = tpu.sem_alloc : memref<!tpu.dma_semaphore, #tpu.memory_space<semaphore_mem>>
      %dma_start3A_44 = arith.constant 0 : i32
      %dma_start3A_45 = tpu.memref_slice %arg5[%mul3A_43, %dma_start3A_44] : memref<4096x128xf32, #tpu.memory_space<hbm>> -> memref<128x128xf32, #tpu.memory_space<hbm>>
      %dma_start3A_46 = arith.constant 0 : i32
      %dma_start3A_47 = tpu.memref_slice %arg13[%mul3A_41, %dma_start3A_46] : memref<2048x128xf32, #tpu.memory_space<vmem_shared>> -> memref<128x128xf32, #tpu.memory_space<vmem_shared>>
      tpu.enqueue_dma source(%dma_start3A_47 : memref<128x128xf32, #tpu.memory_space<vmem_shared>>) target(%dma_start3A_45 : memref<128x128xf32, #tpu.memory_space<hbm>>) target_semaphore(%run_scoped3A : memref<!tpu.dma_semaphore, #tpu.memory_space<semaphore_mem>>)
      %dma_wait3A = arith.constant 0 : i32
      %dma_wait3A_48 = tpu.memref_slice %arg5[%mul3A_43, %dma_wait3A] : memref<4096x128xf32, #tpu.memory_space<hbm>> -> memref<128x128xf32, #tpu.memory_space<hbm>>
      %dma_wait3A_49 = arith.constant 0 : i32
      %dma_wait3A_50 = tpu.memref_slice %arg13[%mul3A_41, %dma_wait3A_49] : memref<2048x128xf32, #tpu.memory_space<vmem_shared>> -> memref<128x128xf32, #tpu.memory_space<vmem_shared>>
      tpu.wait_dma2 semaphore(%run_scoped3A : memref<!tpu.dma_semaphore, #tpu.memory_space<semaphore_mem>>) src(%dma_wait3A_50 : memref<128x128xf32, #tpu.memory_space<vmem_shared>>) dst(%dma_wait3A_48 : memref<128x128xf32, #tpu.memory_space<hbm>>)
      tpu.yield
    }) : () -> ()
    return
  }
}

module attributes {stable_mosaic.version = 14 : i64} {
  func.func @body(%arg0: i32, %arg1: memref<4096x128xf32, #tpu.memory_space<vmem>>, %arg2: memref<128x128xf32, #tpu.memory_space<vmem>>, %arg3: memref<1x128xf32, #tpu.memory_space<vmem>>, %arg4: memref<128x128xf32, #tpu.memory_space<vmem>>, %arg5: memref<1x128xf32, #tpu.memory_space<vmem>>, %arg6: memref<128x64xf32, #tpu.memory_space<vmem>>, %arg7: memref<1x64xf32, #tpu.memory_space<vmem>>, %arg8: memref<4096x64xf32, #tpu.memory_space<vmem>>) attributes {dimension_semantics = [#tpu.dimension_semantics<arbitrary>], iteration_bounds = array<i64: 1>, scalar_prefetch = 0 : i64, scratch_operands = 0 : i64, tpu.core_type = #tpu.core_type<tc>, window_params = [{transform_indices = @transform_0, window_bounds = array<i64: 4096, 128>}, {pipeline_mode = #tpu.pipeline_mode<synchronous>, transform_indices = @transform_1, window_bounds = array<i64: 128, 128>}, {pipeline_mode = #tpu.pipeline_mode<synchronous>, transform_indices = @transform_2, window_bounds = array<i64: 1, 128>}, {pipeline_mode = #tpu.pipeline_mode<synchronous>, transform_indices = @transform_3, window_bounds = array<i64: 128, 128>}, {pipeline_mode = #tpu.pipeline_mode<synchronous>, transform_indices = @transform_4, window_bounds = array<i64: 1, 128>}, {pipeline_mode = #tpu.pipeline_mode<synchronous>, transform_indices = @transform_5, window_bounds = array<i64: 128, 64>}, {pipeline_mode = #tpu.pipeline_mode<synchronous>, transform_indices = @transform_6, window_bounds = array<i64: 1, 64>}, {transform_indices = @transform_7, window_bounds = array<i64: 4096, 64>}]} {
    %get3A = arith.constant 0 : index
    %get3A_0 = arith.constant 0 : index
    %get3A_1 = vector.load %arg1[%get3A, %get3A_0] : memref<4096x128xf32, #tpu.memory_space<vmem>>, vector<4096x128xf32>
    %mul3A = arith.constant 2.000000e-02 : f32
    %mul3A_2 = vector.broadcast %mul3A : f32 to vector<4096x128xf32>
    %mul3A_3 = arith.mulf %get3A_1, %mul3A_2 : vector<4096x128xf32>
    %get3A_4 = arith.constant 0 : index
    %get3A_5 = arith.constant 0 : index
    %get3A_6 = vector.load %arg2[%get3A_4, %get3A_5] : memref<128x128xf32, #tpu.memory_space<vmem>>, vector<128x128xf32>
    %dot_general3A = arith.constant dense<0.000000e+00> : vector<4096x128xf32>
    %dot_general3A_7 = tpu.matmul %mul3A_3, %get3A_6, %dot_general3A {dimension_numbers = #tpu.dot_dimension_numbers<[1], [0], [0], [1], [0, 0, 1, 1], [], []>, transpose_lhs_hint = false} : vector<4096x128xf32>, vector<128x128xf32>, vector<4096x128xf32> -> vector<4096x128xf32>
    %get3A_8 = arith.constant 0 : index
    %get3A_9 = arith.constant 0 : index
    %get3A_10 = vector.load %arg3[%get3A_8, %get3A_9] : memref<1x128xf32, #tpu.memory_space<vmem>>, vector<1x128xf32>
    %add3A = vector.broadcast %get3A_10 : vector<1x128xf32> to vector<4096x128xf32>
    %add3A_11 = arith.addf %dot_general3A_7, %add3A : vector<4096x128xf32>
    %max3A = arith.constant 0.000000e+00 : f32
    %max3A_12 = vector.broadcast %max3A : f32 to vector<4096x128xf32>
    %max3A_13 = arith.maximumf %add3A_11, %max3A_12 : vector<4096x128xf32>
    %get3A_14 = arith.constant 0 : index
    %get3A_15 = arith.constant 0 : index
    %get3A_16 = vector.load %arg4[%get3A_14, %get3A_15] : memref<128x128xf32, #tpu.memory_space<vmem>>, vector<128x128xf32>
    %dot_general3A_17 = arith.constant dense<0.000000e+00> : vector<4096x128xf32>
    %dot_general3A_18 = tpu.matmul %max3A_13, %get3A_16, %dot_general3A_17 {dimension_numbers = #tpu.dot_dimension_numbers<[1], [0], [0], [1], [0, 0, 1, 1], [], []>, transpose_lhs_hint = false} : vector<4096x128xf32>, vector<128x128xf32>, vector<4096x128xf32> -> vector<4096x128xf32>
    %get3A_19 = arith.constant 0 : index
    %get3A_20 = arith.constant 0 : index
    %get3A_21 = vector.load %arg5[%get3A_19, %get3A_20] : memref<1x128xf32, #tpu.memory_space<vmem>>, vector<1x128xf32>
    %add3A_22 = vector.broadcast %get3A_21 : vector<1x128xf32> to vector<4096x128xf32>
    %add3A_23 = arith.addf %dot_general3A_18, %add3A_22 : vector<4096x128xf32>
    %max3A_24 = arith.constant 0.000000e+00 : f32
    %max3A_25 = vector.broadcast %max3A_24 : f32 to vector<4096x128xf32>
    %max3A_26 = arith.maximumf %add3A_23, %max3A_25 : vector<4096x128xf32>
    %get3A_27 = arith.constant 0 : index
    %get3A_28 = arith.constant 0 : index
    %get3A_29 = vector.load %arg4[%get3A_27, %get3A_28] : memref<128x128xf32, #tpu.memory_space<vmem>>, vector<128x128xf32>
    %dot_general3A_30 = arith.constant dense<0.000000e+00> : vector<4096x128xf32>
    %dot_general3A_31 = tpu.matmul %max3A_26, %get3A_29, %dot_general3A_30 {dimension_numbers = #tpu.dot_dimension_numbers<[1], [0], [0], [1], [0, 0, 1, 1], [], []>, transpose_lhs_hint = false} : vector<4096x128xf32>, vector<128x128xf32>, vector<4096x128xf32> -> vector<4096x128xf32>
    %get3A_32 = arith.constant 0 : index
    %get3A_33 = arith.constant 0 : index
    %get3A_34 = vector.load %arg5[%get3A_32, %get3A_33] : memref<1x128xf32, #tpu.memory_space<vmem>>, vector<1x128xf32>
    %add3A_35 = vector.broadcast %get3A_34 : vector<1x128xf32> to vector<4096x128xf32>
    %add3A_36 = arith.addf %dot_general3A_31, %add3A_35 : vector<4096x128xf32>
    %max3A_37 = arith.constant 0.000000e+00 : f32
    %max3A_38 = vector.broadcast %max3A_37 : f32 to vector<4096x128xf32>
    %max3A_39 = arith.maximumf %add3A_36, %max3A_38 : vector<4096x128xf32>
    %get3A_40 = arith.constant 0 : index
    %get3A_41 = arith.constant 0 : index
    %get3A_42 = vector.load %arg6[%get3A_40, %get3A_41] : memref<128x64xf32, #tpu.memory_space<vmem>>, vector<128x64xf32>
    %dot_general3A_43 = arith.constant dense<0.000000e+00> : vector<4096x64xf32>
    %dot_general3A_44 = tpu.matmul %max3A_39, %get3A_42, %dot_general3A_43 {dimension_numbers = #tpu.dot_dimension_numbers<[1], [0], [0], [1], [0, 0, 1, 1], [], []>, transpose_lhs_hint = false} : vector<4096x128xf32>, vector<128x64xf32>, vector<4096x64xf32> -> vector<4096x64xf32>
    %get3A_45 = arith.constant 0 : index
    %get3A_46 = arith.constant 0 : index
    %get3A_47 = vector.load %arg7[%get3A_45, %get3A_46] : memref<1x64xf32, #tpu.memory_space<vmem>>, vector<1x64xf32>
    %add3A_48 = vector.broadcast %get3A_47 : vector<1x64xf32> to vector<4096x64xf32>
    %add3A_49 = arith.addf %dot_general3A_44, %add3A_48 : vector<4096x64xf32>
    %swap3A = arith.constant 0 : index
    %swap3A_50 = arith.constant 0 : index
    %swap3A_51 = vector.load %arg8[%swap3A, %swap3A_50] : memref<4096x64xf32, #tpu.memory_space<vmem>>, vector<4096x64xf32>
    tpu.vector_store %arg8[%swap3A, %swap3A_50], %add3A_49 {strides = array<i32>} : memref<4096x64xf32, #tpu.memory_space<vmem>>, vector<4096x64xf32>,
    return
  }
  func.func @transform_0(%arg0: i32) -> (i32, i32) {
    %c0_i32 = arith.constant 0 : i32
    %c0_i32_0 = arith.constant 0 : i32
    return %arg0, %c0_i32 : i32, i32
  }
  func.func @transform_1(%arg0: i32) -> (i32, i32) {
    %c0_i32 = arith.constant 0 : i32
    %c0_i32_0 = arith.constant 0 : i32
    %c0_i32_1 = arith.constant 0 : i32
    return %c0_i32, %c0_i32_0 : i32, i32
  }
  func.func @transform_2(%arg0: i32) -> (i32, i32) {
    %c0_i32 = arith.constant 0 : i32
    %c0_i32_0 = arith.constant 0 : i32
    %c0_i32_1 = arith.constant 0 : i32
    return %c0_i32, %c0_i32_0 : i32, i32
  }
  func.func @transform_3(%arg0: i32) -> (i32, i32) {
    %c0_i32 = arith.constant 0 : i32
    %c0_i32_0 = arith.constant 0 : i32
    %c0_i32_1 = arith.constant 0 : i32
    return %c0_i32, %c0_i32_0 : i32, i32
  }
  func.func @transform_4(%arg0: i32) -> (i32, i32) {
    %c0_i32 = arith.constant 0 : i32
    %c0_i32_0 = arith.constant 0 : i32
    %c0_i32_1 = arith.constant 0 : i32
    return %c0_i32, %c0_i32_0 : i32, i32
  }
  func.func @transform_5(%arg0: i32) -> (i32, i32) {
    %c0_i32 = arith.constant 0 : i32
    %c0_i32_0 = arith.constant 0 : i32
    %c0_i32_1 = arith.constant 0 : i32
    return %c0_i32, %c0_i32_0 : i32, i32
  }
  func.func @transform_6(%arg0: i32) -> (i32, i32) {
    %c0_i32 = arith.constant 0 : i32
    %c0_i32_0 = arith.constant 0 : i32
    %c0_i32_1 = arith.constant 0 : i32
    return %c0_i32, %c0_i32_0 : i32, i32
  }
  func.func @transform_7(%arg0: i32) -> (i32, i32) {
    %c0_i32 = arith.constant 0 : i32
    %c0_i32_0 = arith.constant 0 : i32
    return %arg0, %c0_i32 : i32, i32
  }
}

</mosaic_0001>

<sc_bundles>
// kernel: kernel.4.cloned.1.call-start
scs
__scs_entry_jumppad:
0x0: {  	(pc) =	sbr.rel $0x88, $3  }
0x1: {  	(tag) =	ssettag $0x0;
	lr =	simm.s32 $0x1  }
0x2: {  	[smem:$0x3F99] =	sst lr;
	_ =	strace $0xD0000000  }
0x3: {  	_ = 	snop  }
0x4: {  	_ = 	snop  }
0x5: {  	_ = 	snop  }
0x6: {  	_ = 	snop  }
0x7: {  	_ = 	snop  }
__scs_overlays_trampoline_lowered:
0x8: {  	[smem:$0x3FA8] =	sst s0  }
0x9: {  	[smem:$0x3FA9] =	sst s1  }
0xa: {  	[smem:$0x3FAA] =	sst s2  }
0xb: {  	[smem:$0x3FAB] =	sst s3  }
0xc: {  	[smem:$0x3FAC] =	sst s4  }
0xd: {  	[smem:$0x3FAD] =	sst s5  }
0xe: {  	[smem:$0x3FAE] =	sst s6  }
0xf: {  	[smem:$0x3FAF] =	sst s7  }
0x10: {  	[smem:$0x3FB0] =	sst s8  }
0x11: {  	[smem:$0x3FB1] =	sst s9;
	s0 =	simm.s32 @!p0 $0x0  }
0x12: {  	s1 =	sld [smem:$0x3F97];
	s0 =	simm.s32 @p0 $0x1  }
0x13: {  	[smem:$0x3FB2] =	sst s0;
	s0 =	simm.s32 @!p1 $0x0  }
0x14: {  	s2 =	sld [smem:$0x3F96];
	s0 =	simm.s32 @p1 $0x1  }
0x15: {  	[smem:$0x3FB3] =	sst s0;
	s0 =	simm.s32 @!p2 $0x0  }
0x16: {  	s3 =	sld [smem:$0x3FDB];
	s0 =	simm.s32 @p2 $0x1  }
0x17: {  	s4 =	simm.s32 $0x1BF5;
	[smem:$0x3FB5] =	sst s0  }
0x18: {  	s0 =	sld [smem:$0x3F98];
	_ =	swait.ge [sflag:s4], $0x0  }
0x19: {  	s7 =	sld [smem:$0x3F99]  }
0x1a: {  	s8 =	sadd.s32 $0xFFFFE003, lr  }
0x1b: {  	s9 =	sadd.s32 $0xFFFFFEF7, lr;
	s5 =	simm.s32 $0xFFFFFFFF;
	p2 =	slt.u32 s8, $0xFFFFF086  }
0x1c: {  	p1 =	slt.u32 s9, $0xF7A;
	s5 =	simm.s32 @!p2 $0x0  }
0x1d: {  	s5 =	simm.s32 @p1 $0x1;
	p0 =	seq.s32 s7, s2  }
0x1e: {  	s7 =	smul.u32 @!p0 $0xF7A, s2;
	p2 =	seq.s32 @!p0 s5, $0x0  }
0x1f: {  	s9 =	smul.u32 $0xF7A, s1;
	s8 =	simm.s32 @!p0 $0x1BF5;
	p2 =	por !p2, p0  }
0x20: {  	[sflag:s8] =	ssyncset.s32 @!p0 $0xFFFFF086;
	s6 =	sadd.s32 @!p0 s3, s7;
	s7 =	simm.s32 @!p0 $0x108  }
0x21: {  	s3 =	sadd.s32 s3, s9;
	s6 =	sadd.s32 @!p0 $0x88, s6;
	s7 =	simm.s32 @p2 $0x1082  }
0x22: {  	[simem:s7], [sflag:s8] =	dma.local @!p0 [hbm:s6], $0xF7A  }
0x23: {  	s9 =	sor.u32 $0xD0000000, s2;
	s6 =	simm.s32 $0x108;
	_ =	swait.ge @!p0 [sflag:s8], $0x0  }
0x24: {  	s3 =	sadd.s32 $0x88, s3;
	s6 =	simm.s32 @!p1 $0x1082;
	[sflag:s4] =	ssyncset.s32 $0xFFFFF086  }
0x25: {  	[simem:s6], [sflag:s4] =	dma.local [hbm:s3], $0xF7A  }
0x26: {  	[smem:$0x3F99] =	sst s1;
	(tag) =	ssettag s2;
	_ =	strace s9  }
0x27: {  	s1 =	sld [smem:$0x3FA9]  }
0x28: {  	s2 =	sld [smem:$0x3FAA]  }
0x29: {  	s4 =	sld [smem:$0x3FAC]  }
0x2a: {  	p0 =	seq.s32 s5, $0x0;
	s5 =	sld [smem:$0x3FAD]  }
0x2b: {  	s6 =	sld [smem:$0x3FAE]  }
0x2c: {  	s7 =	sld [smem:$0x3FAF]  }
0x2d: {  	s3 =	simm.s32 $0x108;
	s8 =	sld [smem:$0x3FB0]  }
0x2e: {  	s3 =	simm.s32 @!p0 $0x1082;
	s9 =	sld [smem:$0x3FB1]  }
0x2f: {  	lr =	sadd.s32 s0, s3;
	s0 =	sld [smem:$0x3FA8]  }
0x30: {  	s3 =	sld [smem:$0x3FAB]  }
0x31: {  	[smem:$0x3FB4] =	sst s10  }
0x32: {  	s10 =	sld [smem:$0x3FB2];
	_ =	sdelay $0x3  }
0x33: {  	p0 =	seq.s32 s10, $0x1;
	s10 =	sld [smem:$0x3FB4];
	_ =	sdelay $0x3  }
0x34: {  	[smem:$0x3FB4] =	sst s10  }
0x35: {  	s10 =	sld [smem:$0x3FB3];
	_ =	sdelay $0x3  }
0x36: {  	p1 =	seq.s32 s10, $0x1;
	s10 =	sld [smem:$0x3FB4];
	_ =	sdelay $0x3  }
0x37: {  	[smem:$0x3FB4] =	sst s10  }
0x38: {  	s10 =	sld [smem:$0x3FB5]  }
0x39: {  	_ = 	snop;
	(pc) =	sbr.ind lr, $3  }
0x3a: {  	_ = 	snop  }
0x3b: {  	_ = 	snop  }
0x3c: {  	p2 =	seq.s32 s10, $0x1;
	s10 =	sld [smem:$0x3FB4]  }
0x3d: {  	_ =	shalt  }
0x3e: {  	_ =	shalt  }
0x3f: {  	_ =	shalt  }
0x40: {  	_ =	shalt  }
0x41: {  	_ =	shalt  }
0x42: {  	_ =	shalt  }
0x43: {  	_ =	shalt  }
0x44: {  	_ =	shalt  }
0x45: {  	_ =	shalt  }
0x46: {  	_ =	shalt  }
0x47: {  	_ =	shalt  }
0x48: {  	_ =	shalt  }
0x49: {  	_ =	shalt  }
0x4a: {  	_ =	shalt  }
0x4b: {  	_ =	shalt  }
0x4c: {  	_ =	shalt  }
0x4d: {  	_ =	shalt  }
0x4e: {  	_ =	shalt  }
0x4f: {  	_ =	shalt  }
0x50: {  	_ =	shalt  }
0x51: {  	_ =	shalt  }
0x52: {  	_ =	shalt  }
0x53: {  	_ =	shalt  }
0x54: {  	_ =	shalt  }
0x55: {  	_ =	shalt  }
0x56: {  	_ =	shalt  }
0x57: {  	_ =	shalt  }
0x58: {  	_ =	shalt  }
0x59: {  	_ =	shalt  }
0x5a: {  	_ =	shalt  }
0x5b: {  	_ =	shalt  }
0x5c: {  	_ =	shalt  }
0x5d: {  	_ =	shalt  }
0x5e: {  	_ =	shalt  }
0x5f: {  	_ =	shalt  }
0x60: {  	_ =	shalt  }
0x61: {  	_ =	shalt  }
0x62: {  	_ =	shalt  }
0x63: {  	_ =	shalt  }
0x64: {  	_ =	shalt  }
0x65: {  	_ =	shalt  }
0x66: {  	_ =	shalt  }
0x67: {  	_ =	shalt  }
0x68: {  	_ =	shalt  }
0x69: {  	_ =	shalt  }
0x6a: {  	_ =	shalt  }
0x6b: {  	_ =	shalt  }
0x6c: {  	_ =	shalt  }
0x6d: {  	_ =	shalt  }
0x6e: {  	_ =	shalt  }
0x6f: {  	_ =	shalt  }
0x70: {  	_ =	shalt  }
0x71: {  	_ =	shalt  }
0x72: {  	_ =	shalt  }
0x73: {  	_ =	shalt  }
0x74: {  	_ =	shalt  }
0x75: {  	_ =	shalt  }
0x76: {  	_ =	shalt  }
0x77: {  	_ =	shalt  }
0x78: {  	_ =	shalt  }
0x79: {  	_ =	shalt  }
0x7a: {  	_ =	shalt  }
0x7b: {  	_ =	shalt  }
0x7c: {  	_ =	shalt  }
0x7d: {  	_ =	shalt  }
0x7e: {  	_ =	shalt  }
0x7f: {  	_ =	shalt  }
0x80: {  	_ =	shalt  }
0x81: {  	_ =	shalt  }
0x82: {  	_ =	shalt  }
0x83: {  	_ =	shalt  }
0x84: {  	_ =	shalt  }
0x85: {  	_ =	shalt  }
0x86: {  	_ =	shalt  }
0x87: {  	_ =	shalt  }
.Lfunc_end0:
.L_simem_size_0:
called_computation_lowered:
.L_overlay_start_0:
0x88: {  	s2 =	sld [smem:$0x3FD9]  }
0x89: {  	s3 =	sld [smem:$0x3FFE];
	_ =	sdelay $0x1  }
0x8a: {  	s1 =	srdreg.scid  }
0x8b: {  	s0 =	sand.u32 $0x1, s1  }
0x8c: {  	s17 =	sshll.u32 s0, $0xA;
	s2 =	sadd.s32 s3, s2  }
0x8d: {  	s2 =	sadd.s32 s2, s17  }
0x8e: {  	[smem:$0x3FC0] =	sst s2  }
0x8f: {  	_ = 	snop  }
0x90: {  	s2 =	sld [smem:$0x3FC8]  }
0x91: {  	s18 =	sld [smem:$0x3FD0];
	(tm) =	ssettm $0x1  }
0x92: {  	s4 =	sld [smem:$0x3FFB];
	_ =	sdelay $0x3  }
0x93: {  	_ =	strace s4  }
0x94: {  	s4 =	sld [smem:$0x3FFC];
	_ =	sdelay $0x3  }
0x95: {  	_ =	strace s4  }
0x96: {  	s4 =	sld [smem:$0x3FFD];
	_ =	sdelay $0x3  }
0x97: {  	_ =	strace s4  }
0x98: {  	_ =	strace $0x8FFFFFFF  }
0x99: {  	s19 =	sld [smem:$0x3FDB];
	_ =	sdelay $0x1  }
0x9a: {  	s5 =	simm.s32 $_scs_section_size  }
0x9b: {  	s6 =	simm.s32 $_size__tile_overlayer_lowered;
	s7 =	simm.s32 $_tile_overlayer_lowered  }
0x9c: {  	s22 =	simm.s32 $0x1BFF;
	s21 =	sshll.u32 s7, $0x1;
	s4 =	sadd.s32 s5, s19  }
0x9d: {  	s8 =	simm.s32 $0x0;
	s20 =	sshll.u32 s6, $0x1;
	s6 =	sadd.s32 s21, s4  }
0x9e: {  	[timem:s8], [sflag:s22] =	dma.local [hbm:s6], s20  }
0x9f: {  	_ =	swait.ge [sflag:s22], s20  }
0xa0: {  	s5 =	ssub.s32 $0x0, s20;
	[sflag:s22] =	ssyncset.done $0x0  }
0xa1: {  	[sflag:s22] =	ssyncadd.s32 s5;
	_ =	sdelay $0x1  }
0xa2: {  	s23 =	simm.s32 $0x1B8B  }
0xa3: {  	_ =	swait.ge [sflag:s23], $0x1  }
0xa4: {  	[sflag:s23] =	ssyncset.done $0x0  }
0xa5: {  	s25 =	simm.s32 $0x1B8E;
	s24 =	sld [smem:$0x3FFE];
	[sflag:s23] =	ssyncadd.s32 $0xFFFFFFFF  }
0xa6: {  	s26 =	simm.s32 $execute0_lowered;
	[smem:$0x3FD2] =	sst s25  }
0xa7: {  	s6 =	sshll.u32 s26, $0x1;
	_ =	strace $0x80000046;
	[dreg:$0x1] =	wrdreg $0xFFFFFFFF  }
0xa8: {  	s28 =	simm.s32 $_size_execute0_lowered;
	s4 =	sadd.s32 s4, s6;
	[dreg:$0x0] =	wrdreg $0x0  }
0xa9: {  	s6 =	sshll.u32 s28, $0x1;
	[dreg:$0x2] =	wrdreg s4  }
0xaa: {  	[dreg:$0x3] =	wrdreg s6  }
0xab: {  	[dreg:$0x4] =	wrdreg $0xC0  }
0xac: {  	_ =	task [dreg:s8], $0x5FFFF  }
0xad: {  	[dreg:$0x1] =	wrdreg $0xFFFFFFFF  }
0xae: {  	[dreg:$0x0] =	wrdreg $0x60  }
0xaf: {  	[dreg:$0x2] =	wrdreg s18  }
0xb0: {  	[dreg:$0x3] =	wrdreg s24  }
0xb1: {  	[dreg:$0x4] =	wrdreg s2  }
0xb2: {  	[dreg:$0x5] =	wrdreg $0x15C800  }
0xb3: {  	[dreg:$0x6] =	wrdreg $0x9  }
0xb4: {  	_ =	task.clear_ibuf [dreg:s8], $0x7FFFF;
	_ =	strace $0x90000046  }
0xb5: {  	s29 =	simm.s32 $0x9;
	_ =	strace $0x80000048  }
0xb6: {  	_ =	swait.ge [sflag:s29], $0x1  }
0xb7: {  	[sflag:s29] =	ssyncadd.s32 $0xFFFFFFFF  }
0xb8: {  	_ =	strace $0x90000048  }
0xb9: {  	_ =	sfence  }
0xba: {  	s30 =	sld [smem:$0x0];
	_ =	sdelay $0x2  }
0xbb: {  	s31 =	sshll.u32 s1, $0xD;
	s1 =	sshrl.u32 s1, $0x2  }
0xbc: {  	s3 =	sand.u32 $0x4000, s31;
	s1 =	sadd.s32 s1, s30  }
0xbd: {  	s0 =	sor.u32 s3, s0;
	s1 =	sshll.u32 s1, $0x11  }
0xbe: {  	s0 =	sor.u32 s1, s0  }
0xbf: {  	s0 =	sadd.s32 $0x8F2B, s0  }
0xc0: {  	[sflag:s0] =	ssyncadd.remote.s32 $0x1  }
0xc1: {  	_ =	sfence.sel $0xFFFF  }
0xc2: {  	[dreg:$0x0] =	wrdreg $0xFFFFFFFF;
	(pc) =	sbr.abs _section_cstart, $3  }
0xc3: {  	[dreg:$0x1] =	wrdreg $0xFFFFFFFF  }
0xc4: {  	_ =	task.clear_ibuf [dreg:s8], $0x2FFFF;
	_ =	strace $0x9FFFFFFF  }
0xc5: {  	(tm) =	ssettm $0x7FFFFFFF  }
tec
execute0_lowered:
.L_overlay_start_1:
0x0: {  	(tag) =	ssettag $0x1  }
0x1: {  	s0 =	rddreg [dreg:$0x0]  }
0x2: {  	s3 =	rddreg [dreg:$0x1]  }
0x3: {  	s1 =	rddreg [dreg:$0x2]  }
0x4: {  	s2 =	rddreg [dreg:$0x3];
	s5 =	srdreg.scid;
	s4 =	simm.s32 $0x0  }
0x5: {  	s9 =	stileid.u32;
	s10 =	simm.s32 $0x1C00;
	s11 =	simm.s32 $0x80  }
0x6: {  	s12 =	simm.s32 $0x1C80;
	s13 =	simm.s32 $0x5C80;
	s15 =	simm.s32 $0x9C80  }
0x7: {  	s17 =	simm.s32 $0xDC80;
	s19 =	simm.s32 $0x11C80;
	s20 =	simm.s32 $0x1  }
0x8: {  	s22 =	simm.s32 $0x2;
	s24 =	simm.s32 $0x3;
	s28 =	simm.s32 $0x4  }
0x9: {  	s29 =	simm.s32 $0x400;
	s30 =	simm.s32 $0x5;
	s5 =	sand.u32 $0x1, s5  }
0xa: {  	s31 =	simm.s32 $0x480;
	[smem:$0x7FF] =	sst s4;
	s6 =	sshll.u32 s5, $0x4  }
0xb: {  	s7 =	sshll.u32 s9, $0x4;
	s26 =	sshll.u32 s9, $0xE;
	s6 =	sor.u32 s9, s6  }
0xc: {  	_ =	strace $0x80000047;
	s8 =	sshll.u32 s6, $0xB;
	s6 =	smul.u32 $0x380, s6  }
.Ltmp0:
0xd: {  	s5 =	ssub.s32 $0x2, s5;
	s7 =	sadd.s32 s7, s3;
	(pc) =	sbr.rel .LBB2_1-.Ltmp0, $4  }
0xe: {  	s25 =	sshrl.u32 s5, $0x1;
	s9 =	simm.s32 $0x6;
	s3 =	sadd.s32 s8, s3  }
0xf: {  	s8 =	ssub.s32 s5, s25;
	s5 =	sadd.s32 s0, s6;
	s6 =	sadd.s32 $0x1400, s7  }
0x10: {  	s0 =	sadd.s32 s26, s2;
	s7 =	sadd.s32 $0x1600, s3;
	s8 =	smax.u32 s8, $0x1  }
0x11: {  	s26 =	simm.s32 $0x380;
	s25 =	sshrl.u32 s0, $0x3;
	s0 =	simm.s32 $0x0  }
.LBB2_4:
0x12: {  	_ =	swait.ge [sflag:s30], $0x4000  }
0x13: {  	[sflag:s30] =	ssyncset.done $0x0  }
0x14: {  	[sflag:s30] =	ssyncadd.s32 $0xFFFFC000  }
0x15: {  	[spmem:s2] =	stream.indirect.scatter.add.f32 [tilespmem:s19], [sflag:$0x6], $0x80, s10, s11, $0xb8;
	[tilespmem:$0x19C80] =	vst v63  }
0x16: {  	s3 =	stileid.u32;
	s0 =	sadd.s32 $0x1, s0;
	_ =	swait.ge [sflag:s9], $0x4000  }
0x17: {  	s3 =	sshll.u32 s3, $0x6;
	p0 =	sne.s32 s0, s8;
	[sflag:s9] =	ssyncset.done $0x0  }
.Ltmp1:
0x18: {  	s3 =	sor.u32 $0x1C06, s3;
	[sflag:s9] =	ssyncadd.s32 $0xFFFFC000;
	(pc) =	sbr.rel @!p0 .LBB2_5-.Ltmp1, $4  }
0x19: {  	[hbm:s7], [sflag:s3] =	dma.local [spmem:s25], $0x800  }
0x1a: {  	_ =	swait.ge [sflag:s9], $0x800  }
0x1b: {  	[sflag:s9] =	ssyncset.done $0x0  }
0x1c: {  	[sflag:s9] =	ssyncadd.s32 $0xFFFFF800  }
.LBB2_1:
0x1d: {  	[tilespmem:s4], [sflag:$0x6] =	stream.linear.gather [hbm4b:s5+s4], $0x1900, $0x38;
	[tilespmem:$0x19C80] =	vst v63  }
0x1e: {  	_ =	swait.ge [sflag:s9], $0x1900  }
0x1f: {  	[sflag:s9] =	ssyncset.done $0x0  }
0x20: {  	[sflag:s9] =	ssyncadd.s32 $0xFFFFE700  }
0x21: {  	[tilespmem:s10], [sflag:$0x6] =	stream.linear.gather [hbm4b:s6+s4], $0x80, $0x38;
	[tilespmem:$0x19C80] =	vst v63  }
0x22: {  	_ =	swait.ge [sflag:s9], $0x80  }
0x23: {  	[sflag:s9] =	ssyncset.done $0x0  }
0x24: {  	[sflag:s9] =	ssyncadd.s32 $0xFFFFFF80  }
0x25: {  	[tilespmem:s12], [sflag:$0x1] =	stream.indirect.gather [hbm4b:s1+s11], $0x80, s4, s11, $0xb8;
	[tilespmem:$0x19C80] =	vst v63  }
0x26: {  	_ = 	snop  }
0x27: {  	[tilespmem:s13], [sflag:$0x2] =	stream.indirect.gather [hbm4b:s1+s11], $0x80, s11, s11, $0xb8;
	[tilespmem:$0x19C80] =	vst v63  }
0x28: {  	s3 =	simm.s32 $0x100  }
0x29: {  	[tilespmem:s15], [sflag:$0x3] =	stream.indirect.gather [hbm4b:s1+s11], $0x80, s3, s11, $0xb8;
	[tilespmem:$0x19C80] =	vst v63  }
0x2a: {  	s16 =	simm.s32 $0x180  }
0x2b: {  	[tilespmem:s17], [sflag:$0x4] =	stream.indirect.gather [hbm4b:s1+s11], $0x80, s16, s11, $0xb8;
	[tilespmem:$0x19C80] =	vst v63  }
0x2c: {  	s18 =	simm.s32 $0x200  }
0x2d: {  	[tilespmem:s19], [sflag:$0x5] =	stream.indirect.gather [hbm4b:s1+s11], $0x80, s18, s11, $0xb8;
	[tilespmem:$0x19C80] =	vst v63  }
0x2e: {  	_ =	swait.ge [sflag:s20], $0x4000  }
0x2f: {  	[sflag:s20] =	ssyncset.done $0x0  }
0x30: {  	[sflag:s20] =	ssyncadd.s32 $0xFFFFC000  }
0x31: {  	[spmem:s2] =	stream.indirect.scatter [tilespmem:s12], [sflag:$0x6], $0x80, s10, s11, $0xb8;
	[tilespmem:$0x19C80] =	vst v63  }
0x32: {  	_ =	swait.ge [sflag:s9], $0x4000  }
0x33: {  	[sflag:s9] =	ssyncset.done $0x0  }
0x34: {  	s21 =	simm.s32 $0x280;
	[sflag:s9] =	ssyncadd.s32 $0xFFFFC000  }
0x35: {  	[tilespmem:s12], [sflag:$0x1] =	stream.indirect.gather [hbm4b:s1+s11], $0x80, s21, s11, $0xb8;
	[tilespmem:$0x19C80] =	vst v63  }
0x36: {  	_ =	swait.ge [sflag:s22], $0x4000  }
0x37: {  	[sflag:s22] =	ssyncset.done $0x0  }
0x38: {  	[sflag:s22] =	ssyncadd.s32 $0xFFFFC000  }
0x39: {  	[spmem:s2] =	stream.indirect.scatter.add.f32 [tilespmem:s13], [sflag:$0x6], $0x80, s10, s11, $0xb8;
	[tilespmem:$0x19C80] =	vst v63  }
0x3a: {  	_ =	swait.ge [sflag:s9], $0x4000  }
0x3b: {  	[sflag:s9] =	ssyncset.done $0x0  }
0x3c: {  	s23 =	simm.s32 $0x300;
	[sflag:s9] =	ssyncadd.s32 $0xFFFFC000  }
0x3d: {  	[tilespmem:s13], [sflag:$0x2] =	stream.indirect.gather [hbm4b:s1+s11], $0x80, s23, s11, $0xb8;
	[tilespmem:$0x19C80] =	vst v63  }
0x3e: {  	_ =	swait.ge [sflag:s24], $0x4000  }
0x3f: {  	[sflag:s24] =	ssyncset.done $0x0  }
0x40: {  	[sflag:s24] =	ssyncadd.s32 $0xFFFFC000  }
0x41: {  	[spmem:s2] =	stream.indirect.scatter.add.f32 [tilespmem:s15], [sflag:$0x6], $0x80, s10, s11, $0xb8;
	[tilespmem:$0x19C80] =	vst v63  }
0x42: {  	_ =	swait.ge [sflag:s9], $0x4000  }
0x43: {  	[sflag:s9] =	ssyncset.done $0x0  }
0x44: {  	[sflag:s9] =	ssyncadd.s32 $0xFFFFC000  }
0x45: {  	[tilespmem:s15], [sflag:$0x3] =	stream.indirect.gather [hbm4b:s1+s11], $0x80, s26, s11, $0xb8;
	[tilespmem:$0x19C80] =	vst v63  }
0x46: {  	_ =	swait.ge [sflag:s28], $0x4000  }
0x47: {  	[sflag:s28] =	ssyncset.done $0x0  }
0x48: {  	[sflag:s28] =	ssyncadd.s32 $0xFFFFC000  }
0x49: {  	[spmem:s2] =	stream.indirect.scatter.add.f32 [tilespmem:s17], [sflag:$0x6], $0x80, s10, s11, $0xb8;
	[tilespmem:$0x19C80] =	vst v63  }
0x4a: {  	_ =	swait.ge [sflag:s9], $0x4000  }
0x4b: {  	[sflag:s9] =	ssyncset.done $0x0  }
0x4c: {  	[sflag:s9] =	ssyncadd.s32 $0xFFFFC000  }
0x4d: {  	[tilespmem:s17], [sflag:$0x4] =	stream.indirect.gather [hbm4b:s1+s11], $0x80, s29, s11, $0xb8;
	[tilespmem:$0x19C80] =	vst v63  }
0x4e: {  	_ =	swait.ge [sflag:s30], $0x4000  }
0x4f: {  	[sflag:s30] =	ssyncset.done $0x0  }
0x50: {  	[sflag:s30] =	ssyncadd.s32 $0xFFFFC000  }
0x51: {  	[spmem:s2] =	stream.indirect.scatter.add.f32 [tilespmem:s19], [sflag:$0x6], $0x80, s10, s11, $0xb8;
	[tilespmem:$0x19C80] =	vst v63  }
0x52: {  	_ =	swait.ge [sflag:s9], $0x4000  }
0x53: {  	[sflag:s9] =	ssyncset.done $0x0  }
0x54: {  	s3 =	simm.s32 $0xFFFFB000;
	[sflag:s9] =	ssyncadd.s32 $0xFFFFC000  }
0x55: {  	[tilespmem:s19], [sflag:$0x5] =	stream.indirect.gather [hbm4b:s1+s11], $0x80, s31, s11, $0xb8;
	[tilespmem:$0x19C80] =	vst v63  }
.LBB2_2:
0x56: {  	_ =	swait.ge [sflag:s20], $0x4000  }
0x57: {  	[sflag:s20] =	ssyncset.done $0x0  }
0x58: {  	[sflag:s20] =	ssyncadd.s32 $0xFFFFC000  }
0x59: {  	[spmem:s2] =	stream.indirect.scatter.add.f32 [tilespmem:s12], [sflag:$0x6], $0x80, s10, s11, $0xb8;
	[tilespmem:$0x19C80] =	vst v63  }
0x5a: {  	p0 =	seq.s32 s3, $0x0;
	_ =	swait.ge [sflag:s9], $0x4000  }
0x5b: {  	s14 =	sshra.s32 @!p0 s3, $0x2;
	s18 =	simm.s32 @!p0 $0x80;
	[sflag:s9] =	ssyncset.done $0x0  }
0x5c: {  	s21 =	simm.s32 @!p0 $0x1C80;
	s16 =	sadd.s32 @!p0 $0x1900, s14;
	[sflag:s9] =	ssyncadd.s32 $0xFFFFC000  }
0x5d: {  	[tilespmem:s21], [sflag:$0x1] =	stream.indirect.gather @!p0 [hbm4b:s1+s18], $0x80, s16, s18, $0xb8;
	[tilespmem:$0x19C80] =	vst v63  }
0x5e: {  	_ =	swait.ge [sflag:s22], $0x4000  }
0x5f: {  	[sflag:s22] =	ssyncset.done $0x0  }
0x60: {  	[sflag:s22] =	ssyncadd.s32 $0xFFFFC000  }
0x61: {  	[spmem:s2] =	stream.indirect.scatter.add.f32 [tilespmem:s13], [sflag:$0x6], $0x80, s10, s11, $0xb8;
	[tilespmem:$0x19C80] =	vst v63  }
0x62: {  	_ =	swait.ge [sflag:s9], $0x4000  }
0x63: {  	[sflag:s9] =	ssyncset.done $0x0  }
0x64: {  	s16 =	simm.s32 @p0 $0x3;
	[sflag:s9] =	ssyncadd.s32 $0xFFFFC000  }
0x65: {  	_ =	swait.ge @p0 [sflag:s16], $0x4000  }
0x66: {  	s23 =	simm.s32 @p0 $0x9C80;
	[sflag:s16] =	ssyncset.done @p0 $0x0  }
0x67: {  	s21 =	simm.s32 @p0 $0x1C00;
	[sflag:s16] =	ssyncadd.s32 @p0 $0xFFFFC000;
	s16 =	simm.s32 @p0 $0x80  }
0x68: {  	[spmem:s2] =	stream.indirect.scatter.add.f32 @p0 [tilespmem:s23], [sflag:$0x6], $0x80, s21, s16, $0xb8;
	[tilespmem:$0x19C80] =	vst v63  }
0x69: {  	s16 =	simm.s32 @p0 $0x6  }
0x6a: {  	_ =	swait.ge @p0 [sflag:s16], $0x4000  }
0x6b: {  	[sflag:s16] =	ssyncset.done @p0 $0x0  }
0x6c: {  	s21 =	simm.s32 @!p0 $0x5C80;
	[sflag:s16] =	ssyncadd.s32 @p0 $0xFFFFC000;
	s16 =	sadd.s32 @!p0 $0x1980, s14  }
0x6d: {  	[tilespmem:s21], [sflag:$0x2] =	stream.indirect.gather @!p0 [hbm4b:s1+s18], $0x80, s16, s18, $0xb8;
	[tilespmem:$0x19C80] =	vst v63  }
0x6e: {  	s16 =	simm.s32 @!p0 $0x3  }
0x6f: {  	_ =	swait.ge @!p0 [sflag:s16], $0x4000  }
0x70: {  	[sflag:s16] =	ssyncset.done @!p0 $0x0  }
0x71: {  	s21 =	simm.s32 @!p0 $0x9C80;
	[sflag:s16] =	ssyncadd.s32 @!p0 $0xFFFFC000;
	s16 =	simm.s32 @!p0 $0x1C00  }
0x72: {  	[spmem:s2] =	stream.indirect.scatter.add.f32 @!p0 [tilespmem:s21], [sflag:$0x6], $0x80, s16, s18, $0xb8;
	[tilespmem:$0x19C80] =	vst v63  }
0x73: {  	s16 =	simm.s32 @!p0 $0x6  }
0x74: {  	_ =	swait.ge @!p0 [sflag:s16], $0x4000  }
0x75: {  	[sflag:s16] =	ssyncset.done @!p0 $0x0  }
0x76: {  	s14 =	sadd.s32 @!p0 $0x1A00, s14;
	[sflag:s16] =	ssyncadd.s32 @!p0 $0xFFFFC000  }
0x77: {  	[tilespmem:s21], [sflag:$0x3] =	stream.indirect.gather @!p0 [hbm4b:s1+s18], $0x80, s14, s18, $0xb8;
	[tilespmem:$0x19C80] =	vst v63  }
0x78: {  	_ =	swait.ge [sflag:s28], $0x4000  }
0x79: {  	[sflag:s28] =	ssyncset.done $0x0  }
.Ltmp2:
0x7a: {  	[sflag:s28] =	ssyncadd.s32 $0xFFFFC000;
	(pc) =	sbr.rel @p0 .LBB2_4-.Ltmp2, $4  }
0x7b: {  	[spmem:s2] =	stream.indirect.scatter.add.f32 [tilespmem:s17], [sflag:$0x6], $0x80, s10, s11, $0xb8;
	[tilespmem:$0x19C80] =	vst v63  }
0x7c: {  	_ =	swait.ge [sflag:s9], $0x4000  }
0x7d: {  	[sflag:s9] =	ssyncset.done $0x0  }
0x7e: {  	[sflag:s9] =	ssyncadd.s32 $0xFFFFC000  }
0x7f: {  	s14 =	sshra.s32 s3, $0x2  }
0x80: {  	s16 =	sadd.s32 $0x1A80, s14  }
0x81: {  	[tilespmem:s17], [sflag:$0x4] =	stream.indirect.gather [hbm4b:s1+s11], $0x80, s16, s11, $0xb8;
	[tilespmem:$0x19C80] =	vst v63  }
0x82: {  	_ =	swait.ge [sflag:s30], $0x4000  }
0x83: {  	[sflag:s30] =	ssyncset.done $0x0  }
0x84: {  	[sflag:s30] =	ssyncadd.s32 $0xFFFFC000  }
0x85: {  	[spmem:s2] =	stream.indirect.scatter.add.f32 [tilespmem:s19], [sflag:$0x6], $0x80, s10, s11, $0xb8;
	[tilespmem:$0x19C80] =	vst v63  }
.Ltmp3:
0x86: {  	_ = 	snop;
	(pc) =	sbr.rel .LBB2_2-.Ltmp3, $4  }
0x87: {  	_ =	swait.ge [sflag:s9], $0x4000  }
0x88: {  	[sflag:s9] =	ssyncset.done $0x0  }
0x89: {  	s3 =	sadd.s32 $0xA00, s3;
	s14 =	sadd.s32 $0x1B00, s14;
	[sflag:s9] =	ssyncadd.s32 $0xFFFFC000  }
0x8a: {  	[tilespmem:s19], [sflag:$0x5] =	stream.indirect.gather [hbm4b:s1+s11], $0x80, s14, s11, $0xb8;
	[tilespmem:$0x19C80] =	vst v63  }
.LBB2_5:
0x8b: {  	_ =	sfence.sel $0x180000  }
0x8c: {  	[bflag:$0x0] =	sbarrier.arrive $0xFFFF  }
0x8d: {  	_ =	strace $0x90000047  }
0x8e: {  	s0 =	stileid.u32;
	[bflag:$0x2] =	sbarrier.arrive $0xFFFF  }
0x8f: {  	p0 =	sne.s32 s0, $0x0;
	s0 =	rddreg [dreg:$0x4]  }
0x90: {  	s0 =	sadd.s32 @!p0 $0x100000, s0  }
0x91: {  	[sflag:s0] =	ssyncadd.tile.s32 @!p0 $0x1;
	_ =	shalt  }
.Lfunc_end2:
_tile_overlayer_lowered:
.L_overlay_start_2:
0x92: {  	(tag) =	ssettag $0x2  }
0x93: {  	s0 =	rddreg [dreg:$0x0];
	s2 =	stileid.u32  }
0x94: {  	s1 =	rddreg [dreg:$0x1];
	p0 =	sne.s32 s2, $0x0  }
0x95: {  	s3 =	rddreg [dreg:$0x2];
	[bflag:$0x3] =	sbarrier.arrive $0xFFFF;
	s2 =	simm.s32 @!p0 $0x1C06  }
0x96: {  	[timem:s3], [sflag:s2] =	dma.local @!p0 [hbm:s0], s1  }
0x97: {  	s0 =	simm.s32 @!p0 $0x6  }
0x98: {  	_ =	swait.ge @!p0 [sflag:s0], s1  }
0x99: {  	s1 =	ssub.s32 @!p0 $0x0, s1;
	[sflag:s0] =	ssyncset.done @!p0 $0x0  }
0x9a: {  	[sflag:s0] =	ssyncadd.s32 @!p0 s1  }
0x9b: {  	[bflag:$0x3] =	sbarrier.arrive $0xFFFF  }
0x9c: {  	_ =	shalt  }

</sc_bundles>
